<compile_context>
chip_gen: v7x
topology: tpu7x:2x2x1
jax: 0.10.2.dev20260603
libtpu: 0.0.44.dev20260713+nightly
codegen_flags: <defaults>
</compile_context>

<pallas_src>
import jax
import jax.numpy as jnp
from jax import lax
from jax.experimental import pallas as pl
from jax.experimental.pallas import tpu as pltpu
from jax.experimental.pallas import tpu_sc as plsc

N_F = 26
VOCAB = 100000
E = 32
B = 16384

NC = 2
NS = 16
NW = NC * NS
PAIRS = N_F * E
PPW = PAIRS // NW
OC = 4096
NOC = B // OC


def _sc_body(idx_hbm, tab_hbm, out_hbm, idx_v, slab_v, out_v, sem, sem_s):
    c = lax.axis_index("c")
    s = lax.axis_index("s")
    wid = s * NC + c

    def pair_body(i, _):
        p = wid * PPW + i
        f = p >> 5
        e = p & (E - 1)
        slab_cp = pltpu.async_copy(tab_hbm.at[f, e], slab_v, sem_s)
        @pl.when((i == 0) | (f != ((p - 1) >> 5)))
        def _():
            pltpu.sync_copy(idx_hbm.at[f], idx_v)

        slab_cp.wait()

        copies = []
        for ch in range(NOC):
            if ch >= 2:
                copies[ch - 2].wait()
            slot = ch % 2
            base = ch * OC

            @plsc.parallel_loop(0, OC // 16, 1, unroll=16)
            def _(j):
                iv = idx_v[pl.ds(base + j * 16, 16)]
                out_v[slot, pl.ds(j * 16, 16)] = plsc.load_gather(slab_v, [iv])

            copies.append(
                pltpu.async_copy(out_v.at[slot],
                                 out_hbm.at[f, e, pl.ds(base, OC)], sem))
        copies[NOC - 2].wait()
        copies[NOC - 1].wait()
        return 0

    lax.fori_loop(0, PPW, pair_body, 0)


@jax.jit
def kernel(inputs, tables):
    idx_t = inputs.T
    tab_t = tables.transpose(0, 2, 1)

    mesh = plsc.VectorSubcoreMesh(core_axis_name="c", subcore_axis_name="s")
    run = pl.kernel(
        _sc_body,
        out_type=jax.ShapeDtypeStruct((N_F, E, B), jnp.float32),
        mesh=mesh,
        scratch_types=[
            pltpu.VMEM((B,), jnp.int32),
            pltpu.VMEM((VOCAB,), jnp.float32),
            pltpu.VMEM((2, OC), jnp.float32),
            pltpu.SemaphoreType.DMA,
            pltpu.SemaphoreType.DMA,
        ],
        compiler_params=pltpu.CompilerParams(
            needs_layout_passes=False,
            use_tc_tiling_on_sc=True,
        ),
    )
    return run(idx_t, tab_t).transpose(1, 2, 0)

# --- scband reference (transcript-rebuilt; emitter-appended) ---
"""Pipeline reference for scband-categorical-features-embedding-7567732376127 (READ-ONLY COPY).

The authoritative reference and input builder live on the scoring server;
editing this copy changes nothing except your own understanding.
"""

import jax, jax.numpy as jnp
import numpy as np

N_FEATURES = 26
VOCAB = 100000
EMBED_DIM = 32
BATCH = 16384


def setup_inputs(seed: int = 0) -> dict:
    key = jax.random.key(seed)
    k_inp, k_tab = jax.random.split(key)
    inputs = jax.random.randint(k_inp, (BATCH, N_FEATURES), 0, VOCAB, dtype=jnp.int32)
    # one embedding table per categorical feature, stacked: [n_features, vocab, embed_dim]
    tables = jax.random.normal(k_tab, (N_FEATURES, VOCAB, EMBED_DIM), dtype=jnp.float32) * 0.05
    return {"inputs": inputs, "tables": tables}


def reference(inputs, tables):
    # Faithful translation of CategoricalFeaturesEmbedding.call where every
    # column of `inputs` is a categorical feature (indicator == 1 for all idx).
    dim = inputs.shape[1]
    feats = []
    for idx in range(dim):
        feature = jnp.expand_dims(inputs[:, idx], 1)            # [B, 1]  (tf.expand_dims)
        emb = jnp.take(tables[idx], feature[:, 0], axis=0)      # [B, E]  (Embedding lookup + squeeze of size-1 dim)
        feats.append(emb)
    stacked = jnp.stack(feats, axis=0)                          # [dim, B, E]  (TensorArray.stack)
    # tf.transpose(tf.squeeze(x)) with no size-1 dims: transpose reverses all axes
    out = jnp.transpose(jnp.squeeze(stacked))                   # [E, B, dim]
    return out

if __name__ == "__main__":
    import jax
    _d = setup_inputs()
    print(jax.jit(kernel)(*tuple(_d.values())))

</pallas_src>

<mosaic_0001>
#map = affine_map<(d0, d1) -> (0, 0)>
#map1 = affine_map<(d0, d1) -> (0, 0, 0)>
module attributes {stable_mosaic.version = 14 : i64} {
  func.func @_sc_body(%arg0: i32, %arg1: i32, %arg2: memref<26x16384xi32, #tpu.memory_space<hbm>>, %arg3: memref<26x32x100000xf32, #tpu.memory_space<hbm>>, %arg4: memref<26x32x16384xf32, #tpu.memory_space<hbm>>, %arg5: memref<16384xi32, #tpu.memory_space<vmem>>, %arg6: memref<100000xf32, #tpu.memory_space<vmem>>, %arg7: memref<2x4096xf32, #tpu.memory_space<vmem>>, %arg8: memref<!tpu.dma_semaphore, #tpu.memory_space<semaphore_mem>>, %arg9: memref<!tpu.dma_semaphore, #tpu.memory_space<semaphore_mem>>) attributes {dimension_semantics = [#tpu.dimension_semantics<core_parallel>, #tpu.dimension_semantics<subcore_parallel>], iteration_bounds = array<i64: 2, 16>, scalar_prefetch = 0 : i64, scratch_operands = 5 : i64, tpu.core_type = #tpu.core_type<sc_vector_subcore>, window_params = [{transform_indices = #map}, {transform_indices = #map1}, {transform_indices = #map1}]} {
    %mul3A = arith.constant 2 : i32
    %mul3A_0 = arith.muli %arg1, %mul3A : i32
    %add3A = arith.addi %mul3A_0, %arg0 : i32
    %scan3A = arith.constant 0 : i32
    %scan3A_1 = arith.constant 0 : i32
    %scan3A_2 = arith.constant 26 : i32
    %scan3A_3 = arith.addi %scan3A_1, %scan3A_2 : i32
    %scan3A_4 = arith.constant 1 : i32
    %scan3A_5 = scf.for %scan3A_7 = %scan3A_1 to %scan3A_3 step %scan3A_4 iter_args(%scan3A_8 = %scan3A) -> (i32)  : i32 {
      %mul3A_9 = arith.constant 26 : i32
      %mul3A_10 = arith.muli %add3A, %mul3A_9 : i32
      %add3A_11 = arith.addi %mul3A_10, %scan3A_7 : i32
      %shift_right_arithmetic3A = arith.constant 5 : i32
      %shift_right_arithmetic3A_12 = arith.shrsi %add3A_11, %shift_right_arithmetic3A : i32
      %and3A = arith.constant 31 : i32
      %and3A_13 = arith.andi %add3A_11, %and3A : i32
      %dma_start3A = arith.constant 0 : i32
      %dma_start3A_14 = tpu.memref_slice %arg3[%shift_right_arithmetic3A_12, %and3A_13, %dma_start3A] : memref<26x32x100000xf32, #tpu.memory_space<hbm>> -> memref<1x1x100000xf32, #tpu.memory_space<hbm>>
      %dma_start3A_15 = tpu.memref_squeeze %dma_start3A_14 : memref<1x1x100000xf32, #tpu.memory_space<hbm>> -> memref<100000xf32, #tpu.memory_space<hbm>>
      %dma_start3A_16 = arith.constant 0 : i32
      %dma_start3A_17 = tpu.memref_slice %arg3[%shift_right_arithmetic3A_12, %and3A_13, %dma_start3A_16] : memref<26x32x100000xf32, #tpu.memory_space<hbm>> -> memref<1x1x100000xf32, #tpu.memory_space<hbm>>
      %dma_start3A_18 = tpu.memref_squeeze %dma_start3A_17 : memref<1x1x100000xf32, #tpu.memory_space<hbm>> -> memref<100000xf32, #tpu.memory_space<hbm>>
      tpu.enqueue_dma source(%dma_start3A_18 : memref<100000xf32, #tpu.memory_space<hbm>>) target(%arg6 : memref<100000xf32, #tpu.memory_space<vmem>>) target_semaphore(%arg9 : memref<!tpu.dma_semaphore, #tpu.memory_space<semaphore_mem>>)
      %eq3A = arith.constant 0 : i32
      %eq3A_19 = arith.cmpi eq, %scan3A_7, %eq3A : i32
      %sub3A = arith.constant 1 : i32
      %sub3A_20 = arith.subi %add3A_11, %sub3A : i32
      %shift_right_arithmetic3A_21 = arith.constant 5 : i32
      %shift_right_arithmetic3A_22 = arith.shrsi %sub3A_20, %shift_right_arithmetic3A_21 : i32
      %ne3A = arith.cmpi ne, %shift_right_arithmetic3A_12, %shift_right_arithmetic3A_22 : i32
      %or3A = arith.ori %eq3A_19, %ne3A : i1
      %convert_element_type3A = arith.extui %or3A : i1 to i32
      %cond3A = arith.constant 0 : i32
      %cond3A_23 = arith.cmpi ne, %convert_element_type3A, %cond3A : i32
      scf.if %cond3A_23 {
        "tpu.region"() ({
          %run_scoped3A = tpu.sem_alloc : memref<!tpu.dma_semaphore, #tpu.memory_space<semaphore_mem>>
          %dma_start3A_145 = arith.constant 0 : i32
          %dma_start3A_146 = tpu.memref_slice %arg2[%shift_right_arithmetic3A_12, %dma_start3A_145] : memref<26x16384xi32, #tpu.memory_space<hbm>> -> memref<1x16384xi32, #tpu.memory_space<hbm>>
          %dma_start3A_147 = tpu.memref_squeeze %dma_start3A_146 : memref<1x16384xi32, #tpu.memory_space<hbm>> -> memref<16384xi32, #tpu.memory_space<hbm>>
          %dma_start3A_148 = arith.constant 0 : i32
          %dma_start3A_149 = tpu.memref_slice %arg2[%shift_right_arithmetic3A_12, %dma_start3A_148] : memref<26x16384xi32, #tpu.memory_space<hbm>> -> memref<1x16384xi32, #tpu.memory_space<hbm>>
          %dma_start3A_150 = tpu.memref_squeeze %dma_start3A_149 : memref<1x16384xi32, #tpu.memory_space<hbm>> -> memref<16384xi32, #tpu.memory_space<hbm>>
          tpu.enqueue_dma source(%dma_start3A_150 : memref<16384xi32, #tpu.memory_space<hbm>>) target(%arg5 : memref<16384xi32, #tpu.memory_space<vmem>>) target_semaphore(%run_scoped3A : memref<!tpu.dma_semaphore, #tpu.memory_space<semaphore_mem>>)
          %dma_wait3A_151 = arith.constant 0 : i32
          %dma_wait3A_152 = tpu.memref_slice %arg2[%shift_right_arithmetic3A_12, %dma_wait3A_151] : memref<26x16384xi32, #tpu.memory_space<hbm>> -> memref<1x16384xi32, #tpu.memory_space<hbm>>
          %dma_wait3A_153 = tpu.memref_squeeze %dma_wait3A_152 : memref<1x16384xi32, #tpu.memory_space<hbm>> -> memref<16384xi32, #tpu.memory_space<hbm>>
          %dma_wait3A_154 = arith.constant 0 : i32
          %dma_wait3A_155 = tpu.memref_slice %arg2[%shift_right_arithmetic3A_12, %dma_wait3A_154] : memref<26x16384xi32, #tpu.memory_space<hbm>> -> memref<1x16384xi32, #tpu.memory_space<hbm>>
          %dma_wait3A_156 = tpu.memref_squeeze %dma_wait3A_155 : memref<1x16384xi32, #tpu.memory_space<hbm>> -> memref<16384xi32, #tpu.memory_space<hbm>>
          tpu.wait_dma2 semaphore(%run_scoped3A : memref<!tpu.dma_semaphore, #tpu.memory_space<semaphore_mem>>) src(%dma_wait3A_156 : memref<16384xi32, #tpu.memory_space<hbm>>) dst(%arg5 : memref<16384xi32, #tpu.memory_space<vmem>>)
          tpu.yield
        }) : () -> ()
      } else {
      }
      %dma_wait3A = arith.constant 0 : i32
      %dma_wait3A_24 = tpu.memref_slice %arg3[%shift_right_arithmetic3A_12, %and3A_13, %dma_wait3A] : memref<26x32x100000xf32, #tpu.memory_space<hbm>> -> memref<1x1x100000xf32, #tpu.memory_space<hbm>>
      %dma_wait3A_25 = tpu.memref_squeeze %dma_wait3A_24 : memref<1x1x100000xf32, #tpu.memory_space<hbm>> -> memref<100000xf32, #tpu.memory_space<hbm>>
      %dma_wait3A_26 = arith.constant 0 : i32
      %dma_wait3A_27 = tpu.memref_slice %arg3[%shift_right_arithmetic3A_12, %and3A_13, %dma_wait3A_26] : memref<26x32x100000xf32, #tpu.memory_space<hbm>> -> memref<1x1x100000xf32, #tpu.memory_space<hbm>>
      %dma_wait3A_28 = tpu.memref_squeeze %dma_wait3A_27 : memref<1x1x100000xf32, #tpu.memory_space<hbm>> -> memref<100000xf32, #tpu.memory_space<hbm>>
      tpu.wait_dma2 semaphore(%arg9 : memref<!tpu.dma_semaphore, #tpu.memory_space<semaphore_mem>>) src(%dma_wait3A_28 : memref<100000xf32, #tpu.memory_space<hbm>>) dst(%arg6 : memref<100000xf32, #tpu.memory_space<vmem>>)
      %parallel_loop3A = arith.constant 0 : i32
      %parallel_loop3A_29 = arith.constant 256 : i32
      %parallel_loop3A_30 = arith.constant 1 : i32
      scf.for %parallel_loop3A_145 = %parallel_loop3A to %parallel_loop3A_29 step %parallel_loop3A_30  : i32 {
        %parallel_loop3A_146 = arith.constant 16 : i32
        %parallel_loop3A_147 = arith.muli %parallel_loop3A_145, %parallel_loop3A_146 : i32
        %parallel_loop3A_148 = arith.constant 0 : i32
        %parallel_loop3A_149 = arith.addi %parallel_loop3A_148, %parallel_loop3A_147 : i32
        %parallel_loop3A_150 = arith.index_cast %parallel_loop3A_149 : i32 to index
        %parallel_loop3A_151 = tpu.vector_load %arg5[%parallel_loop3A_150] {strides = array<i32>} : memref<16384xi32, #tpu.memory_space<vmem>>, vector<16xi32>,
        %parallel_loop3A_152 = tpu.vector_load_idx %arg6[%parallel_loop3A_151] : memref<100000xf32, #tpu.memory_space<vmem>>[vector<16xi32>], vector<16xf32>,
        %parallel_loop3A_153 = arith.constant 16 : i32
        %parallel_loop3A_154 = arith.muli %parallel_loop3A_145, %parallel_loop3A_153 : i32
        %parallel_loop3A_155 = arith.constant 0 : i32
        %parallel_loop3A_156 = arith.index_cast %parallel_loop3A_155 : i32 to index
        %parallel_loop3A_157 = arith.index_cast %parallel_loop3A_154 : i32 to index
        %parallel_loop3A_158 = tpu.vector_load %arg7[%parallel_loop3A_156, %parallel_loop3A_157] {strides = array<i32>} : memref<2x4096xf32, #tpu.memory_space<vmem>>, vector<16xf32>,
        tpu.vector_store %arg7[%parallel_loop3A_156, %parallel_loop3A_157], %parallel_loop3A_152 {strides = array<i32>} : memref<2x4096xf32, #tpu.memory_space<vmem>>, vector<16xf32>,
      } {sc.loop_unroll_factor = 16 : i64, sc.parallel_access}
      %dma_start3A_31 = arith.constant 0 : i32
      %dma_start3A_32 = arith.constant 0 : i32
      %dma_start3A_33 = tpu.memref_slice %arg7[%dma_start3A_31, %dma_start3A_32] : memref<2x4096xf32, #tpu.memory_space<vmem>> -> memref<1x4096xf32, #tpu.memory_space<vmem>>
      %dma_start3A_34 = tpu.memref_squeeze %dma_start3A_33 : memref<1x4096xf32, #tpu.memory_space<vmem>> -> memref<4096xf32, #tpu.memory_space<vmem>>
      %dma_start3A_35 = arith.constant 0 : i32
      %dma_start3A_36 = tpu.memref_slice %arg4[%shift_right_arithmetic3A_12, %and3A_13, %dma_start3A_35] : memref<26x32x16384xf32, #tpu.memory_space<hbm>> -> memref<1x1x4096xf32, #tpu.memory_space<hbm>>
      %dma_start3A_37 = tpu.memref_squeeze %dma_start3A_36 : memref<1x1x4096xf32, #tpu.memory_space<hbm>> -> memref<4096xf32, #tpu.memory_space<hbm>>
      %dma_start3A_38 = arith.constant 0 : i32
      %dma_start3A_39 = tpu.memref_slice %arg4[%shift_right_arithmetic3A_12, %and3A_13, %dma_start3A_38] : memref<26x32x16384xf32, #tpu.memory_space<hbm>> -> memref<1x1x4096xf32, #tpu.memory_space<hbm>>
      %dma_start3A_40 = tpu.memref_squeeze %dma_start3A_39 : memref<1x1x4096xf32, #tpu.memory_space<hbm>> -> memref<4096xf32, #tpu.memory_space<hbm>>
      %dma_start3A_41 = arith.constant 0 : i32
      %dma_start3A_42 = tpu.memref_slice %arg7[%dma_start3A_31, %dma_start3A_41] : memref<2x4096xf32, #tpu.memory_space<vmem>> -> memref<1x4096xf32, #tpu.memory_space<vmem>>
      %dma_start3A_43 = tpu.memref_squeeze %dma_start3A_42 : memref<1x4096xf32, #tpu.memory_space<vmem>> -> memref<4096xf32, #tpu.memory_space<vmem>>
      tpu.enqueue_dma source(%dma_start3A_43 : memref<4096xf32, #tpu.memory_space<vmem>>) target(%dma_start3A_40 : memref<4096xf32, #tpu.memory_space<hbm>>) target_semaphore(%arg8 : memref<!tpu.dma_semaphore, #tpu.memory_space<semaphore_mem>>)
      %parallel_loop3A_44 = arith.constant 0 : i32
      %parallel_loop3A_45 = arith.constant 256 : i32
      %parallel_loop3A_46 = arith.constant 1 : i32
      scf.for %parallel_loop3A_145 = %parallel_loop3A_44 to %parallel_loop3A_45 step %parallel_loop3A_46  : i32 {
        %parallel_loop3A_146 = arith.constant 16 : i32
        %parallel_loop3A_147 = arith.muli %parallel_loop3A_145, %parallel_loop3A_146 : i32
        %parallel_loop3A_148 = arith.constant 4096 : i32
        %parallel_loop3A_149 = arith.addi %parallel_loop3A_148, %parallel_loop3A_147 : i32
        %parallel_loop3A_150 = arith.index_cast %parallel_loop3A_149 : i32 to index
        %parallel_loop3A_151 = tpu.vector_load %arg5[%parallel_loop3A_150] {strides = array<i32>} : memref<16384xi32, #tpu.memory_space<vmem>>, vector<16xi32>,
        %parallel_loop3A_152 = tpu.vector_load_idx %arg6[%parallel_loop3A_151] : memref<100000xf32, #tpu.memory_space<vmem>>[vector<16xi32>], vector<16xf32>,
        %parallel_loop3A_153 = arith.constant 16 : i32
        %parallel_loop3A_154 = arith.muli %parallel_loop3A_145, %parallel_loop3A_153 : i32
        %parallel_loop3A_155 = arith.constant 1 : i32
        %parallel_loop3A_156 = arith.index_cast %parallel_loop3A_155 : i32 to index
        %parallel_loop3A_157 = arith.index_cast %parallel_loop3A_154 : i32 to index
        %parallel_loop3A_158 = tpu.vector_load %arg7[%parallel_loop3A_156, %parallel_loop3A_157] {strides = array<i32>} : memref<2x4096xf32, #tpu.memory_space<vmem>>, vector<16xf32>,
        tpu.vector_store %arg7[%parallel_loop3A_156, %parallel_loop3A_157], %parallel_loop3A_152 {strides = array<i32>} : memref<2x4096xf32, #tpu.memory_space<vmem>>, vector<16xf32>,
      } {sc.loop_unroll_factor = 16 : i64, sc.parallel_access}
      %dma_start3A_47 = arith.constant 1 : i32
      %dma_start3A_48 = arith.constant 0 : i32
      %dma_start3A_49 = tpu.memref_slice %arg7[%dma_start3A_47, %dma_start3A_48] : memref<2x4096xf32, #tpu.memory_space<vmem>> -> memref<1x4096xf32, #tpu.memory_space<vmem>>
      %dma_start3A_50 = tpu.memref_squeeze %dma_start3A_49 : memref<1x4096xf32, #tpu.memory_space<vmem>> -> memref<4096xf32, #tpu.memory_space<vmem>>
      %dma_start3A_51 = arith.constant 4096 : i32
      %dma_start3A_52 = tpu.memref_slice %arg4[%shift_right_arithmetic3A_12, %and3A_13, %dma_start3A_51] : memref<26x32x16384xf32, #tpu.memory_space<hbm>> -> memref<1x1x4096xf32, #tpu.memory_space<hbm>>
      %dma_start3A_53 = tpu.memref_squeeze %dma_start3A_52 : memref<1x1x4096xf32, #tpu.memory_space<hbm>> -> memref<4096xf32, #tpu.memory_space<hbm>>
      %dma_start3A_54 = arith.constant 4096 : i32
      %dma_start3A_55 = tpu.memref_slice %arg4[%shift_right_arithmetic3A_12, %and3A_13, %dma_start3A_54] : memref<26x32x16384xf32, #tpu.memory_space<hbm>> -> memref<1x1x4096xf32, #tpu.memory_space<hbm>>
      %dma_start3A_56 = tpu.memref_squeeze %dma_start3A_55 : memref<1x1x4096xf32, #tpu.memory_space<hbm>> -> memref<4096xf32, #tpu.memory_space<hbm>>
      %dma_start3A_57 = arith.constant 0 : i32
      %dma_start3A_58 = tpu.memref_slice %arg7[%dma_start3A_47, %dma_start3A_57] : memref<2x4096xf32, #tpu.memory_space<vmem>> -> memref<1x4096xf32, #tpu.memory_space<vmem>>
      %dma_start3A_59 = tpu.memref_squeeze %dma_start3A_58 : memref<1x4096xf32, #tpu.memory_space<vmem>> -> memref<4096xf32, #tpu.memory_space<vmem>>
      tpu.enqueue_dma source(%dma_start3A_59 : memref<4096xf32, #tpu.memory_space<vmem>>) target(%dma_start3A_56 : memref<4096xf32, #tpu.memory_space<hbm>>) target_semaphore(%arg8 : memref<!tpu.dma_semaphore, #tpu.memory_space<semaphore_mem>>)
      %dma_wait3A_60 = arith.constant 0 : i32
      %dma_wait3A_61 = arith.constant 0 : i32
      %dma_wait3A_62 = tpu.memref_slice %arg7[%dma_wait3A_60, %dma_wait3A_61] : memref<2x4096xf32, #tpu.memory_space<vmem>> -> memref<1x4096xf32, #tpu.memory_space<vmem>>
      %dma_wait3A_63 = tpu.memref_squeeze %dma_wait3A_62 : memref<1x4096xf32, #tpu.memory_space<vmem>> -> memref<4096xf32, #tpu.memory_space<vmem>>
      %dma_wait3A_64 = arith.constant 0 : i32
      %dma_wait3A_65 = tpu.memref_slice %arg4[%shift_right_arithmetic3A_12, %and3A_13, %dma_wait3A_64] : memref<26x32x16384xf32, #tpu.memory_space<hbm>> -> memref<1x1x4096xf32, #tpu.memory_space<hbm>>
      %dma_wait3A_66 = tpu.memref_squeeze %dma_wait3A_65 : memref<1x1x4096xf32, #tpu.memory_space<hbm>> -> memref<4096xf32, #tpu.memory_space<hbm>>
      %dma_wait3A_67 = arith.constant 0 : i32
      %dma_wait3A_68 = tpu.memref_slice %arg4[%shift_right_arithmetic3A_12, %and3A_13, %dma_wait3A_67] : memref<26x32x16384xf32, #tpu.memory_space<hbm>> -> memref<1x1x4096xf32, #tpu.memory_space<hbm>>
      %dma_wait3A_69 = tpu.memref_squeeze %dma_wait3A_68 : memref<1x1x4096xf32, #tpu.memory_space<hbm>> -> memref<4096xf32, #tpu.memory_space<hbm>>
      %dma_wait3A_70 = arith.constant 0 : i32
      %dma_wait3A_71 = tpu.memref_slice %arg7[%dma_wait3A_60, %dma_wait3A_70] : memref<2x4096xf32, #tpu.memory_space<vmem>> -> memref<1x4096xf32, #tpu.memory_space<vmem>>
      %dma_wait3A_72 = tpu.memref_squeeze %dma_wait3A_71 : memref<1x4096xf32, #tpu.memory_space<vmem>> -> memref<4096xf32, #tpu.memory_space<vmem>>
      tpu.wait_dma2 semaphore(%arg8 : memref<!tpu.dma_semaphore, #tpu.memory_space<semaphore_mem>>) src(%dma_wait3A_72 : memref<4096xf32, #tpu.memory_space<vmem>>) dst(%dma_wait3A_69 : memref<4096xf32, #tpu.memory_space<hbm>>)
      %parallel_loop3A_73 = arith.constant 0 : i32
      %parallel_loop3A_74 = arith.constant 256 : i32
      %parallel_loop3A_75 = arith.constant 1 : i32
      scf.for %parallel_loop3A_145 = %parallel_loop3A_73 to %parallel_loop3A_74 step %parallel_loop3A_75  : i32 {
        %parallel_loop3A_146 = arith.constant 16 : i32
        %parallel_loop3A_147 = arith.muli %parallel_loop3A_145, %parallel_loop3A_146 : i32
        %parallel_loop3A_148 = arith.constant 8192 : i32
        %parallel_loop3A_149 = arith.addi %parallel_loop3A_148, %parallel_loop3A_147 : i32
        %parallel_loop3A_150 = arith.index_cast %parallel_loop3A_149 : i32 to index
        %parallel_loop3A_151 = tpu.vector_load %arg5[%parallel_loop3A_150] {strides = array<i32>} : memref<16384xi32, #tpu.memory_space<vmem>>, vector<16xi32>,
        %parallel_loop3A_152 = tpu.vector_load_idx %arg6[%parallel_loop3A_151] : memref<100000xf32, #tpu.memory_space<vmem>>[vector<16xi32>], vector<16xf32>,
        %parallel_loop3A_153 = arith.constant 16 : i32
        %parallel_loop3A_154 = arith.muli %parallel_loop3A_145, %parallel_loop3A_153 : i32
        %parallel_loop3A_155 = arith.constant 0 : i32
        %parallel_loop3A_156 = arith.index_cast %parallel_loop3A_155 : i32 to index
        %parallel_loop3A_157 = arith.index_cast %parallel_loop3A_154 : i32 to index
        %parallel_loop3A_158 = tpu.vector_load %arg7[%parallel_loop3A_156, %parallel_loop3A_157] {strides = array<i32>} : memref<2x4096xf32, #tpu.memory_space<vmem>>, vector<16xf32>,
        tpu.vector_store %arg7[%parallel_loop3A_156, %parallel_loop3A_157], %parallel_loop3A_152 {strides = array<i32>} : memref<2x4096xf32, #tpu.memory_space<vmem>>, vector<16xf32>,
      } {sc.loop_unroll_factor = 16 : i64, sc.parallel_access}
      %dma_start3A_76 = arith.constant 0 : i32
      %dma_start3A_77 = arith.constant 0 : i32
      %dma_start3A_78 = tpu.memref_slice %arg7[%dma_start3A_76, %dma_start3A_77] : memref<2x4096xf32, #tpu.memory_space<vmem>> -> memref<1x4096xf32, #tpu.memory_space<vmem>>
      %dma_start3A_79 = tpu.memref_squeeze %dma_start3A_78 : memref<1x4096xf32, #tpu.memory_space<vmem>> -> memref<4096xf32, #tpu.memory_space<vmem>>
      %dma_start3A_80 = arith.constant 8192 : i32
      %dma_start3A_81 = tpu.memref_slice %arg4[%shift_right_arithmetic3A_12, %and3A_13, %dma_start3A_80] : memref<26x32x16384xf32, #tpu.memory_space<hbm>> -> memref<1x1x4096xf32, #tpu.memory_space<hbm>>
      %dma_start3A_82 = tpu.memref_squeeze %dma_start3A_81 : memref<1x1x4096xf32, #tpu.memory_space<hbm>> -> memref<4096xf32, #tpu.memory_space<hbm>>
      %dma_start3A_83 = arith.constant 8192 : i32
      %dma_start3A_84 = tpu.memref_slice %arg4[%shift_right_arithmetic3A_12, %and3A_13, %dma_start3A_83] : memref<26x32x16384xf32, #tpu.memory_space<hbm>> -> memref<1x1x4096xf32, #tpu.memory_space<hbm>>
      %dma_start3A_85 = tpu.memref_squeeze %dma_start3A_84 : memref<1x1x4096xf32, #tpu.memory_space<hbm>> -> memref<4096xf32, #tpu.memory_space<hbm>>
      %dma_start3A_86 = arith.constant 0 : i32
      %dma_start3A_87 = tpu.memref_slice %arg7[%dma_start3A_76, %dma_start3A_86] : memref<2x4096xf32, #tpu.memory_space<vmem>> -> memref<1x4096xf32, #tpu.memory_space<vmem>>
      %dma_start3A_88 = tpu.memref_squeeze %dma_start3A_87 : memref<1x4096xf32, #tpu.memory_space<vmem>> -> memref<4096xf32, #tpu.memory_space<vmem>>
      tpu.enqueue_dma source(%dma_start3A_88 : memref<4096xf32, #tpu.memory_space<vmem>>) target(%dma_start3A_85 : memref<4096xf32, #tpu.memory_space<hbm>>) target_semaphore(%arg8 : memref<!tpu.dma_semaphore, #tpu.memory_space<semaphore_mem>>)
      %dma_wait3A_89 = arith.constant 1 : i32
      %dma_wait3A_90 = arith.constant 0 : i32
      %dma_wait3A_91 = tpu.memref_slice %arg7[%dma_wait3A_89, %dma_wait3A_90] : memref<2x4096xf32, #tpu.memory_space<vmem>> -> memref<1x4096xf32, #tpu.memory_space<vmem>>
      %dma_wait3A_92 = tpu.memref_squeeze %dma_wait3A_91 : memref<1x4096xf32, #tpu.memory_space<vmem>> -> memref<4096xf32, #tpu.memory_space<vmem>>
      %dma_wait3A_93 = arith.constant 4096 : i32
      %dma_wait3A_94 = tpu.memref_slice %arg4[%shift_right_arithmetic3A_12, %and3A_13, %dma_wait3A_93] : memref<26x32x16384xf32, #tpu.memory_space<hbm>> -> memref<1x1x4096xf32, #tpu.memory_space<hbm>>
      %dma_wait3A_95 = tpu.memref_squeeze %dma_wait3A_94 : memref<1x1x4096xf32, #tpu.memory_space<hbm>> -> memref<4096xf32, #tpu.memory_space<hbm>>
      %dma_wait3A_96 = arith.constant 4096 : i32
      %dma_wait3A_97 = tpu.memref_slice %arg4[%shift_right_arithmetic3A_12, %and3A_13, %dma_wait3A_96] : memref<26x32x16384xf32, #tpu.memory_space<hbm>> -> memref<1x1x4096xf32, #tpu.memory_space<hbm>>
      %dma_wait3A_98 = tpu.memref_squeeze %dma_wait3A_97 : memref<1x1x4096xf32, #tpu.memory_space<hbm>> -> memref<4096xf32, #tpu.memory_space<hbm>>
      %dma_wait3A_99 = arith.constant 0 : i32
      %dma_wait3A_100 = tpu.memref_slice %arg7[%dma_wait3A_89, %dma_wait3A_99] : memref<2x4096xf32, #tpu.memory_space<vmem>> -> memref<1x4096xf32, #tpu.memory_space<vmem>>
      %dma_wait3A_101 = tpu.memref_squeeze %dma_wait3A_100 : memref<1x4096xf32, #tpu.memory_space<vmem>> -> memref<4096xf32, #tpu.memory_space<vmem>>
      tpu.wait_dma2 semaphore(%arg8 : memref<!tpu.dma_semaphore, #tpu.memory_space<semaphore_mem>>) src(%dma_wait3A_101 : memref<4096xf32, #tpu.memory_space<vmem>>) dst(%dma_wait3A_98 : memref<4096xf32, #tpu.memory_space<hbm>>)
      %parallel_loop3A_102 = arith.constant 0 : i32
      %parallel_loop3A_103 = arith.constant 256 : i32
      %parallel_loop3A_104 = arith.constant 1 : i32
      scf.for %parallel_loop3A_145 = %parallel_loop3A_102 to %parallel_loop3A_103 step %parallel_loop3A_104  : i32 {
        %parallel_loop3A_146 = arith.constant 16 : i32
        %parallel_loop3A_147 = arith.muli %parallel_loop3A_145, %parallel_loop3A_146 : i32
        %parallel_loop3A_148 = arith.constant 12288 : i32
        %parallel_loop3A_149 = arith.addi %parallel_loop3A_148, %parallel_loop3A_147 : i32
        %parallel_loop3A_150 = arith.index_cast %parallel_loop3A_149 : i32 to index
        %parallel_loop3A_151 = tpu.vector_load %arg5[%parallel_loop3A_150] {strides = array<i32>} : memref<16384xi32, #tpu.memory_space<vmem>>, vector<16xi32>,
        %parallel_loop3A_152 = tpu.vector_load_idx %arg6[%parallel_loop3A_151] : memref<100000xf32, #tpu.memory_space<vmem>>[vector<16xi32>], vector<16xf32>,
        %parallel_loop3A_153 = arith.constant 16 : i32
        %parallel_loop3A_154 = arith.muli %parallel_loop3A_145, %parallel_loop3A_153 : i32
        %parallel_loop3A_155 = arith.constant 1 : i32
        %parallel_loop3A_156 = arith.index_cast %parallel_loop3A_155 : i32 to index
        %parallel_loop3A_157 = arith.index_cast %parallel_loop3A_154 : i32 to index
        %parallel_loop3A_158 = tpu.vector_load %arg7[%parallel_loop3A_156, %parallel_loop3A_157] {strides = array<i32>} : memref<2x4096xf32, #tpu.memory_space<vmem>>, vector<16xf32>,
        tpu.vector_store %arg7[%parallel_loop3A_156, %parallel_loop3A_157], %parallel_loop3A_152 {strides = array<i32>} : memref<2x4096xf32, #tpu.memory_space<vmem>>, vector<16xf32>,
      } {sc.loop_unroll_factor = 16 : i64, sc.parallel_access}
      %dma_start3A_105 = arith.constant 1 : i32
      %dma_start3A_106 = arith.constant 0 : i32
      %dma_start3A_107 = tpu.memref_slice %arg7[%dma_start3A_105, %dma_start3A_106] : memref<2x4096xf32, #tpu.memory_space<vmem>> -> memref<1x4096xf32, #tpu.memory_space<vmem>>
      %dma_start3A_108 = tpu.memref_squeeze %dma_start3A_107 : memref<1x4096xf32, #tpu.memory_space<vmem>> -> memref<4096xf32, #tpu.memory_space<vmem>>
      %dma_start3A_109 = arith.constant 12288 : i32
      %dma_start3A_110 = tpu.memref_slice %arg4[%shift_right_arithmetic3A_12, %and3A_13, %dma_start3A_109] : memref<26x32x16384xf32, #tpu.memory_space<hbm>> -> memref<1x1x4096xf32, #tpu.memory_space<hbm>>
      %dma_start3A_111 = tpu.memref_squeeze %dma_start3A_110 : memref<1x1x4096xf32, #tpu.memory_space<hbm>> -> memref<4096xf32, #tpu.memory_space<hbm>>
      %dma_start3A_112 = arith.constant 12288 : i32
      %dma_start3A_113 = tpu.memref_slice %arg4[%shift_right_arithmetic3A_12, %and3A_13, %dma_start3A_112] : memref<26x32x16384xf32, #tpu.memory_space<hbm>> -> memref<1x1x4096xf32, #tpu.memory_space<hbm>>
      %dma_start3A_114 = tpu.memref_squeeze %dma_start3A_113 : memref<1x1x4096xf32, #tpu.memory_space<hbm>> -> memref<4096xf32, #tpu.memory_space<hbm>>
      %dma_start3A_115 = arith.constant 0 : i32
      %dma_start3A_116 = tpu.memref_slice %arg7[%dma_start3A_105, %dma_start3A_115] : memref<2x4096xf32, #tpu.memory_space<vmem>> -> memref<1x4096xf32, #tpu.memory_space<vmem>>
      %dma_start3A_117 = tpu.memref_squeeze %dma_start3A_116 : memref<1x4096xf32, #tpu.memory_space<vmem>> -> memref<4096xf32, #tpu.memory_space<vmem>>
      tpu.enqueue_dma source(%dma_start3A_117 : memref<4096xf32, #tpu.memory_space<vmem>>) target(%dma_start3A_114 : memref<4096xf32, #tpu.memory_space<hbm>>) target_semaphore(%arg8 : memref<!tpu.dma_semaphore, #tpu.memory_space<semaphore_mem>>)
      %dma_wait3A_118 = arith.constant 0 : i32
      %dma_wait3A_119 = arith.constant 0 : i32
      %dma_wait3A_120 = tpu.memref_slice %arg7[%dma_wait3A_118, %dma_wait3A_119] : memref<2x4096xf32, #tpu.memory_space<vmem>> -> memref<1x4096xf32, #tpu.memory_space<vmem>>
      %dma_wait3A_121 = tpu.memref_squeeze %dma_wait3A_120 : memref<1x4096xf32, #tpu.memory_space<vmem>> -> memref<4096xf32, #tpu.memory_space<vmem>>
      %dma_wait3A_122 = arith.constant 8192 : i32
      %dma_wait3A_123 = tpu.memref_slice %arg4[%shift_right_arithmetic3A_12, %and3A_13, %dma_wait3A_122] : memref<26x32x16384xf32, #tpu.memory_space<hbm>> -> memref<1x1x4096xf32, #tpu.memory_space<hbm>>
      %dma_wait3A_124 = tpu.memref_squeeze %dma_wait3A_123 : memref<1x1x4096xf32, #tpu.memory_space<hbm>> -> memref<4096xf32, #tpu.memory_space<hbm>>
      %dma_wait3A_125 = arith.constant 8192 : i32
      %dma_wait3A_126 = tpu.memref_slice %arg4[%shift_right_arithmetic3A_12, %and3A_13, %dma_wait3A_125] : memref<26x32x16384xf32, #tpu.memory_space<hbm>> -> memref<1x1x4096xf32, #tpu.memory_space<hbm>>
      %dma_wait3A_127 = tpu.memref_squeeze %dma_wait3A_126 : memref<1x1x4096xf32, #tpu.memory_space<hbm>> -> memref<4096xf32, #tpu.memory_space<hbm>>
      %dma_wait3A_128 = arith.constant 0 : i32
      %dma_wait3A_129 = tpu.memref_slice %arg7[%dma_wait3A_118, %dma_wait3A_128] : memref<2x4096xf32, #tpu.memory_space<vmem>> -> memref<1x4096xf32, #tpu.memory_space<vmem>>
      %dma_wait3A_130 = tpu.memref_squeeze %dma_wait3A_129 : memref<1x4096xf32, #tpu.memory_space<vmem>> -> memref<4096xf32, #tpu.memory_space<vmem>>
      tpu.wait_dma2 semaphore(%arg8 : memref<!tpu.dma_semaphore, #tpu.memory_space<semaphore_mem>>) src(%dma_wait3A_130 : memref<4096xf32, #tpu.memory_space<vmem>>) dst(%dma_wait3A_127 : memref<4096xf32, #tpu.memory_space<hbm>>)
      %dma_wait3A_131 = arith.constant 1 : i32
      %dma_wait3A_132 = arith.constant 0 : i32
      %dma_wait3A_133 = tpu.memref_slice %arg7[%dma_wait3A_131, %dma_wait3A_132] : memref<2x4096xf32, #tpu.memory_space<vmem>> -> memref<1x4096xf32, #tpu.memory_space<vmem>>
      %dma_wait3A_134 = tpu.memref_squeeze %dma_wait3A_133 : memref<1x4096xf32, #tpu.memory_space<vmem>> -> memref<4096xf32, #tpu.memory_space<vmem>>
      %dma_wait3A_135 = arith.constant 12288 : i32
      %dma_wait3A_136 = tpu.memref_slice %arg4[%shift_right_arithmetic3A_12, %and3A_13, %dma_wait3A_135] : memref<26x32x16384xf32, #tpu.memory_space<hbm>> -> memref<1x1x4096xf32, #tpu.memory_space<hbm>>
      %dma_wait3A_137 = tpu.memref_squeeze %dma_wait3A_136 : memref<1x1x4096xf32, #tpu.memory_space<hbm>> -> memref<4096xf32, #tpu.memory_space<hbm>>
      %dma_wait3A_138 = arith.constant 12288 : i32
      %dma_wait3A_139 = tpu.memref_slice %arg4[%shift_right_arithmetic3A_12, %and3A_13, %dma_wait3A_138] : memref<26x32x16384xf32, #tpu.memory_space<hbm>> -> memref<1x1x4096xf32, #tpu.memory_space<hbm>>
      %dma_wait3A_140 = tpu.memref_squeeze %dma_wait3A_139 : memref<1x1x4096xf32, #tpu.memory_space<hbm>> -> memref<4096xf32, #tpu.memory_space<hbm>>
      %dma_wait3A_141 = arith.constant 0 : i32
      %dma_wait3A_142 = tpu.memref_slice %arg7[%dma_wait3A_131, %dma_wait3A_141] : memref<2x4096xf32, #tpu.memory_space<vmem>> -> memref<1x4096xf32, #tpu.memory_space<vmem>>
      %dma_wait3A_143 = tpu.memref_squeeze %dma_wait3A_142 : memref<1x4096xf32, #tpu.memory_space<vmem>> -> memref<4096xf32, #tpu.memory_space<vmem>>
      tpu.wait_dma2 semaphore(%arg8 : memref<!tpu.dma_semaphore, #tpu.memory_space<semaphore_mem>>) src(%dma_wait3A_143 : memref<4096xf32, #tpu.memory_space<vmem>>) dst(%dma_wait3A_140 : memref<4096xf32, #tpu.memory_space<hbm>>)
      %scan3A_144 = arith.constant 0 : i32
      scf.yield %scan3A_144 : i32
    }
    %scan3A_6 = arith.constant 26 : i32
    return
  }
}

</mosaic_0001>

<sc_bundles>
// kernel: kernel.3.cloned.1.call-start
scs
__scs_entry_jumppad:
0x0: {  	(pc) =	sbr.rel $0x88, $3  }
0x1: {  	(tag) =	ssettag $0x0;
	lr =	simm.s32 $0x1  }
0x2: {  	[smem:$0x3F9F] =	sst lr;
	_ =	strace $0xD0000000  }
0x3: {  	_ = 	snop  }
0x4: {  	_ = 	snop  }
0x5: {  	_ = 	snop  }
0x6: {  	_ = 	snop  }
0x7: {  	_ = 	snop  }
__scs_overlays_trampoline_lowered:
0x8: {  	[smem:$0x3FAE] =	sst s0  }
0x9: {  	[smem:$0x3FAF] =	sst s1  }
0xa: {  	[smem:$0x3FB0] =	sst s2  }
0xb: {  	[smem:$0x3FB1] =	sst s3  }
0xc: {  	[smem:$0x3FB2] =	sst s4  }
0xd: {  	[smem:$0x3FB3] =	sst s5  }
0xe: {  	[smem:$0x3FB4] =	sst s6  }
0xf: {  	[smem:$0x3FB5] =	sst s7  }
0x10: {  	[smem:$0x3FB6] =	sst s8  }
0x11: {  	[smem:$0x3FB7] =	sst s9;
	s0 =	simm.s32 @!p0 $0x0  }
0x12: {  	s1 =	sld [smem:$0x3F9D];
	s0 =	simm.s32 @p0 $0x1  }
0x13: {  	[smem:$0x3FB8] =	sst s0;
	s0 =	simm.s32 @!p1 $0x0  }
0x14: {  	s2 =	sld [smem:$0x3F9C];
	s0 =	simm.s32 @p1 $0x1  }
0x15: {  	[smem:$0x3FB9] =	sst s0;
	s0 =	simm.s32 @!p2 $0x0  }
0x16: {  	s3 =	sld [smem:$0x3FDB];
	s0 =	simm.s32 @p2 $0x1  }
0x17: {  	s4 =	simm.s32 $0x1BF5;
	[smem:$0x3FBB] =	sst s0  }
0x18: {  	s0 =	sld [smem:$0x3F9E];
	_ =	swait.ge [sflag:s4], $0x0  }
0x19: {  	s7 =	sld [smem:$0x3F9F]  }
0x1a: {  	s8 =	sadd.s32 $0xFFFFE003, lr  }
0x1b: {  	s9 =	sadd.s32 $0xFFFFFEF7, lr;
	s5 =	simm.s32 $0xFFFFFFFF;
	p2 =	slt.u32 s8, $0xFFFFF086  }
0x1c: {  	p1 =	slt.u32 s9, $0xF7A;
	s5 =	simm.s32 @!p2 $0x0  }
0x1d: {  	s5 =	simm.s32 @p1 $0x1;
	p0 =	seq.s32 s7, s2  }
0x1e: {  	s7 =	smul.u32 @!p0 $0xF7A, s2;
	p2 =	seq.s32 @!p0 s5, $0x0  }
0x1f: {  	s9 =	smul.u32 $0xF7A, s1;
	s8 =	simm.s32 @!p0 $0x1BF5;
	p2 =	por !p2, p0  }
0x20: {  	[sflag:s8] =	ssyncset.s32 @!p0 $0xFFFFF086;
	s6 =	sadd.s32 @!p0 s3, s7;
	s7 =	simm.s32 @!p0 $0x108  }
0x21: {  	s3 =	sadd.s32 s3, s9;
	s6 =	sadd.s32 @!p0 $0x88, s6;
	s7 =	simm.s32 @p2 $0x1082  }
0x22: {  	[simem:s7], [sflag:s8] =	dma.local @!p0 [hbm:s6], $0xF7A  }
0x23: {  	s9 =	sor.u32 $0xD0000000, s2;
	s6 =	simm.s32 $0x108;
	_ =	swait.ge @!p0 [sflag:s8], $0x0  }
0x24: {  	s3 =	sadd.s32 $0x88, s3;
	s6 =	simm.s32 @!p1 $0x1082;
	[sflag:s4] =	ssyncset.s32 $0xFFFFF086  }
0x25: {  	[simem:s6], [sflag:s4] =	dma.local [hbm:s3], $0xF7A  }
0x26: {  	[smem:$0x3F9F] =	sst s1;
	(tag) =	ssettag s2;
	_ =	strace s9  }
0x27: {  	s1 =	sld [smem:$0x3FAF]  }
0x28: {  	s2 =	sld [smem:$0x3FB0]  }
0x29: {  	s4 =	sld [smem:$0x3FB2]  }
0x2a: {  	p0 =	seq.s32 s5, $0x0;
	s5 =	sld [smem:$0x3FB3]  }
0x2b: {  	s6 =	sld [smem:$0x3FB4]  }
0x2c: {  	s7 =	sld [smem:$0x3FB5]  }
0x2d: {  	s3 =	simm.s32 $0x108;
	s8 =	sld [smem:$0x3FB6]  }
0x2e: {  	s3 =	simm.s32 @!p0 $0x1082;
	s9 =	sld [smem:$0x3FB7]  }
0x2f: {  	lr =	sadd.s32 s0, s3;
	s0 =	sld [smem:$0x3FAE]  }
0x30: {  	s3 =	sld [smem:$0x3FB1]  }
0x31: {  	[smem:$0x3FBA] =	sst s10  }
0x32: {  	s10 =	sld [smem:$0x3FB8];
	_ =	sdelay $0x3  }
0x33: {  	p0 =	seq.s32 s10, $0x1;
	s10 =	sld [smem:$0x3FBA];
	_ =	sdelay $0x3  }
0x34: {  	[smem:$0x3FBA] =	sst s10  }
0x35: {  	s10 =	sld [smem:$0x3FB9];
	_ =	sdelay $0x3  }
0x36: {  	p1 =	seq.s32 s10, $0x1;
	s10 =	sld [smem:$0x3FBA];
	_ =	sdelay $0x3  }
0x37: {  	[smem:$0x3FBA] =	sst s10  }
0x38: {  	s10 =	sld [smem:$0x3FBB]  }
0x39: {  	_ = 	snop;
	(pc) =	sbr.ind lr, $3  }
0x3a: {  	_ = 	snop  }
0x3b: {  	_ = 	snop  }
0x3c: {  	p2 =	seq.s32 s10, $0x1;
	s10 =	sld [smem:$0x3FBA]  }
0x3d: {  	_ =	shalt  }
0x3e: {  	_ =	shalt  }
0x3f: {  	_ =	shalt  }
0x40: {  	_ =	shalt  }
0x41: {  	_ =	shalt  }
0x42: {  	_ =	shalt  }
0x43: {  	_ =	shalt  }
0x44: {  	_ =	shalt  }
0x45: {  	_ =	shalt  }
0x46: {  	_ =	shalt  }
0x47: {  	_ =	shalt  }
0x48: {  	_ =	shalt  }
0x49: {  	_ =	shalt  }
0x4a: {  	_ =	shalt  }
0x4b: {  	_ =	shalt  }
0x4c: {  	_ =	shalt  }
0x4d: {  	_ =	shalt  }
0x4e: {  	_ =	shalt  }
0x4f: {  	_ =	shalt  }
0x50: {  	_ =	shalt  }
0x51: {  	_ =	shalt  }
0x52: {  	_ =	shalt  }
0x53: {  	_ =	shalt  }
0x54: {  	_ =	shalt  }
0x55: {  	_ =	shalt  }
0x56: {  	_ =	shalt  }
0x57: {  	_ =	shalt  }
0x58: {  	_ =	shalt  }
0x59: {  	_ =	shalt  }
0x5a: {  	_ =	shalt  }
0x5b: {  	_ =	shalt  }
0x5c: {  	_ =	shalt  }
0x5d: {  	_ =	shalt  }
0x5e: {  	_ =	shalt  }
0x5f: {  	_ =	shalt  }
0x60: {  	_ =	shalt  }
0x61: {  	_ =	shalt  }
0x62: {  	_ =	shalt  }
0x63: {  	_ =	shalt  }
0x64: {  	_ =	shalt  }
0x65: {  	_ =	shalt  }
0x66: {  	_ =	shalt  }
0x67: {  	_ =	shalt  }
0x68: {  	_ =	shalt  }
0x69: {  	_ =	shalt  }
0x6a: {  	_ =	shalt  }
0x6b: {  	_ =	shalt  }
0x6c: {  	_ =	shalt  }
0x6d: {  	_ =	shalt  }
0x6e: {  	_ =	shalt  }
0x6f: {  	_ =	shalt  }
0x70: {  	_ =	shalt  }
0x71: {  	_ =	shalt  }
0x72: {  	_ =	shalt  }
0x73: {  	_ =	shalt  }
0x74: {  	_ =	shalt  }
0x75: {  	_ =	shalt  }
0x76: {  	_ =	shalt  }
0x77: {  	_ =	shalt  }
0x78: {  	_ =	shalt  }
0x79: {  	_ =	shalt  }
0x7a: {  	_ =	shalt  }
0x7b: {  	_ =	shalt  }
0x7c: {  	_ =	shalt  }
0x7d: {  	_ =	shalt  }
0x7e: {  	_ =	shalt  }
0x7f: {  	_ =	shalt  }
0x80: {  	_ =	shalt  }
0x81: {  	_ =	shalt  }
0x82: {  	_ =	shalt  }
0x83: {  	_ =	shalt  }
0x84: {  	_ =	shalt  }
0x85: {  	_ =	shalt  }
0x86: {  	_ =	shalt  }
0x87: {  	_ =	shalt  }
.Lfunc_end0:
.L_simem_size_0:
called_computation_lowered:
.L_overlay_start_0:
0x88: {  	s2 =	sld [smem:$0x3FD9]  }
0x89: {  	s3 =	sld [smem:$0x3FFE];
	_ =	sdelay $0x1  }
0x8a: {  	s1 =	srdreg.scid  }
0x8b: {  	s0 =	sand.u32 $0x1, s1  }
0x8c: {  	s18 =	sshll.u32 s0, $0xA;
	s2 =	sadd.s32 s3, s2  }
0x8d: {  	s2 =	sadd.s32 s2, s18  }
0x8e: {  	[smem:$0x3FC6] =	sst s2  }
0x8f: {  	_ = 	snop  }
0x90: {  	s2 =	sld [smem:$0x3FC9]  }
0x91: {  	s19 =	sld [smem:$0x3FC8]  }
0x92: {  	s4 =	sld [smem:$0x3FD0];
	(tm) =	ssettm $0x1  }
0x93: {  	s5 =	sld [smem:$0x3FFB];
	_ =	sdelay $0x3  }
0x94: {  	_ =	strace s5  }
0x95: {  	s5 =	sld [smem:$0x3FFC];
	_ =	sdelay $0x3  }
0x96: {  	_ =	strace s5  }
0x97: {  	s5 =	sld [smem:$0x3FFD];
	_ =	sdelay $0x3  }
0x98: {  	_ =	strace s5  }
0x99: {  	_ =	strace $0x8FFFFFFF  }
0x9a: {  	s20 =	sld [smem:$0x3FDB];
	_ =	sdelay $0x1  }
0x9b: {  	s6 =	simm.s32 $_scs_section_size  }
0x9c: {  	s7 =	simm.s32 $_size__tile_overlayer_lowered;
	s8 =	simm.s32 $_tile_overlayer_lowered  }
0x9d: {  	s23 =	simm.s32 $0x1BFF;
	s22 =	sshll.u32 s8, $0x1;
	s5 =	sadd.s32 s6, s20  }
0x9e: {  	s9 =	simm.s32 $0x0;
	s21 =	sshll.u32 s7, $0x1;
	s7 =	sadd.s32 s22, s5  }
0x9f: {  	[timem:s9], [sflag:s23] =	dma.local [hbm:s7], s21  }
0xa0: {  	_ =	swait.ge [sflag:s23], s21  }
0xa1: {  	s6 =	ssub.s32 $0x0, s21;
	[sflag:s23] =	ssyncset.done $0x0  }
0xa2: {  	[sflag:s23] =	ssyncadd.s32 s6;
	_ =	sdelay $0x1  }
0xa3: {  	s24 =	simm.s32 $0x1B8B  }
0xa4: {  	_ =	swait.ge [sflag:s24], $0x1  }
0xa5: {  	[sflag:s24] =	ssyncset.done $0x0  }
0xa6: {  	s25 =	simm.s32 $0x1B8E;
	[sflag:s24] =	ssyncadd.s32 $0xFFFFFFFF  }
0xa7: {  	s26 =	simm.s32 $execute0_lowered;
	[smem:$0x3FD2] =	sst s25  }
0xa8: {  	s6 =	sshll.u32 s26, $0x1;
	_ =	strace $0x80000046;
	[dreg:$0x1] =	wrdreg $0xFFFFFFFF  }
0xa9: {  	s28 =	simm.s32 $_size_execute0_lowered;
	s5 =	sadd.s32 s5, s6;
	[dreg:$0x0] =	wrdreg $0x0  }
0xaa: {  	s6 =	sshll.u32 s28, $0x1;
	[dreg:$0x2] =	wrdreg s5  }
0xab: {  	[dreg:$0x3] =	wrdreg s6  }
0xac: {  	[dreg:$0x4] =	wrdreg $0xC0  }
0xad: {  	_ =	task [dreg:s9], $0x5FFFF  }
0xae: {  	[dreg:$0x1] =	wrdreg $0xFFFFFFFF  }
0xaf: {  	[dreg:$0x0] =	wrdreg $0x60  }
0xb0: {  	[dreg:$0x2] =	wrdreg s2  }
0xb1: {  	[dreg:$0x3] =	wrdreg s19  }
0xb2: {  	[dreg:$0x4] =	wrdreg s4  }
0xb3: {  	[dreg:$0x5] =	wrdreg $0x9  }
0xb4: {  	_ =	task.clear_ibuf [dreg:s9], $0x6FFFF;
	_ =	strace $0x90000046  }
0xb5: {  	s29 =	simm.s32 $0x9;
	_ =	strace $0x80000048  }
0xb6: {  	_ =	swait.ge [sflag:s29], $0x1  }
0xb7: {  	[sflag:s29] =	ssyncadd.s32 $0xFFFFFFFF  }
0xb8: {  	_ =	strace $0x90000048  }
0xb9: {  	_ =	sfence  }
0xba: {  	s30 =	sld [smem:$0x0];
	_ =	sdelay $0x2  }
0xbb: {  	s31 =	sshll.u32 s1, $0xD;
	s1 =	sshrl.u32 s1, $0x2  }
0xbc: {  	s3 =	sand.u32 $0x4000, s31;
	s1 =	sadd.s32 s1, s30  }
0xbd: {  	s0 =	sor.u32 s3, s0;
	s1 =	sshll.u32 s1, $0x11  }
0xbe: {  	s0 =	sor.u32 s1, s0  }
0xbf: {  	s0 =	sadd.s32 $0x8F2B, s0  }
0xc0: {  	[sflag:s0] =	ssyncadd.remote.s32 $0x1  }
0xc1: {  	_ =	sfence.sel $0xFFFF  }
0xc2: {  	[dreg:$0x0] =	wrdreg $0xFFFFFFFF;
	(pc) =	sbr.abs _section_cstart, $3  }
0xc3: {  	[dreg:$0x1] =	wrdreg $0xFFFFFFFF  }
0xc4: {  	_ =	task.clear_ibuf [dreg:s9], $0x2FFFF;
	_ =	strace $0x9FFFFFFF  }
0xc5: {  	(tm) =	ssettm $0x7FFFFFFF  }
tec
execute0_lowered:
.L_overlay_start_1:
0x0: {  	(tag) =	ssettag $0x1  }
0x1: {  	s1 =	rddreg [dreg:$0x0]  }
0x2: {  	s2 =	rddreg [dreg:$0x1]  }
0x3: {  	s3 =	rddreg [dreg:$0x2]  }
0x4: {  	s4 =	srdreg.scid;
	s0 =	rddreg [dreg:$0x3];
	s5 =	simm.s32 $0x0  }
0x5: {  	s11 =	simm.s32 $0x80;
	s12 =	simm.s32 $0x400;
	s13 =	simm.s32 $0x4000  }
0x6: {  	s14 =	simm.s32 $0x3;
	s15 =	simm.s32 $0x2;
	s16 =	simm.s32 $0x1  }
0x7: {  	s17 =	simm.s32 $0x0;
	s6 =	sand.u32 $0x1, s4;
	s4 =	stileid.u32  }
0x8: {  	[smem:$0x7FF] =	sst s5;
	s7 =	ssub.s32 $0x2, s6;
	s9 =	sshll.u32 s4, $0x1  }
0x9: {  	_ =	strace $0x80000047;
	s8 =	sshrl.u32 s7, $0x1;
	s6 =	sor.u32 s6, s9  }
0xa: {  	s9 =	sadd.s32 $0x3000, s3;
	s10 =	ssub.s32 s7, s8;
	s6 =	smul.u32 $0x1A, s6  }
0xb: {  	s7 =	sadd.s32 $0x1000, s3;
	s8 =	sadd.s32 $0x2000, s3;
	s10 =	smax.u32 s10, $0x1  }
.LBB2_1:
0xc: {  	s18 =	simm.s32 $0x0  }
.LBB2_2:
0xd: {  	s22 =	sadd.s32 s6, s18  }
0xe: {  	s19 =	sshrl.u32 s22, $0x5;
	s20 =	sshrl.u32 s22, $0x3  }
0xf: {  	s20 =	sand.u32 $0x3, s20;
	s23 =	smul.u32 $0x30E000, s19  }
0x10: {  	s24 =	smul.u32 $0xC3800, s20  }
0x11: {  	p0 =	seq.s32 s18, $0x0;
	s21 =	sshll.u32 s22, $0x7;
	s22 =	sadd.s32 $0xFFFFFFFF, s22  }
0x12: {  	s21 =	sand.u32 $0x380, s21;
	s22 =	sshra.s32 s22, $0x5;
	s23 =	sadd.s32 s23, s24  }
0x13: {  	p1 =	seq.s32 @!p0 s19, s22;
	s23 =	sor.u32 s21, s23  }
0x14: {  	p0 =	por p0, !p1;
	s23 =	sshrl.u32 s23, $0x3  }
0x15: {  	s22 =	sshll.u32 @p0 s19, $0x4;
	s23 =	sadd.s32 s2, s23  }
0x16: {  	[tilespmem:s13], [sflag:$0x2] =	stream.strided.gather [hbm4b:s23+s11], $0x18700, s12, s11, $0x38;
	[tilespmem:$0x1E700] =	vst v63  }
0x17: {  	s22 =	sand.u32 @p0 $0x70, s22;
	s23 =	sshll.u32 @p0 s19, $0xB  }
0x18: {  	s22 =	sadd.s32 @p0 s1, s22;
	s23 =	sand.u32 @p0 $0xFFFC000, s23  }
0x19: {  	s22 =	sadd.s32 @p0 s23, s22  }
0x1a: {  	[tilespmem:s5], [sflag:$0x3] =	stream.strided.gather @p0 [hbm4b:s22+s11], $0x4000, s12, s11, $0x38;
	[tilespmem:$0x1E700] =	vst v63  }
0x1b: {  	_ =	swait.ge @p0 [sflag:s14], $0x4000  }
0x1c: {  	[sflag:s14] =	ssyncset.done @p0 $0x0  }
0x1d: {  	[sflag:s14] =	ssyncadd.s32 @p0 $0xFFFFC000  }
0x1e: {  	_ =	swait.ge [sflag:s15], $0x18700  }
0x1f: {  	[sflag:s15] =	ssyncset.done $0x0  }
0x20: {  	s31 =	simm.s32 $0x80;
	[sflag:s15] =	ssyncadd.s32 $0xFFFE7900  }
0x21: {  	v0 =	vld [tilespmem:s31+$0x70]  }
0x22: {  	v1 =	vld [tilespmem:s31+$0xFFFFFF90]  }
0x23: {  	v2 =	vld [tilespmem:s31+$0xFFFFFFA0]  }
0x24: {  	v3 =	vld [tilespmem:s31+$0xFFFFFFB0]  }
0x25: {  	v4 =	vld [tilespmem:s31+$0xFFFFFFC0]  }
0x26: {  	v5 =	vld [tilespmem:s31+$0xFFFFFFD0]  }
0x27: {  	v6 =	vld [tilespmem:s31+$0xFFFFFFE0]  }
0x28: {  	v7 =	vld [tilespmem:s31+$0xFFFFFFF0]  }
0x29: {  	v8 =	vld [tilespmem:s31+$0x0]  }
0x2a: {  	v9 =	vld [tilespmem:s31+$0x10]  }
0x2b: {  	v10 =	vld [tilespmem:s31+$0x20]  }
0x2c: {  	v11 =	vld [tilespmem:s31+$0x30]  }
0x2d: {  	v12 =	vld [tilespmem:s31+$0x40]  }
0x2e: {  	v13 =	vld [tilespmem:s31+$0x50]  }
0x2f: {  	v14 =	vld [tilespmem:s31+$0x60]  }
0x30: {  	v15 =	vld [tilespmem:s31+$0xFFFFFF80]  }
0x31: {  	v0 =	vld.idx.msk [tilespmem:v0+s13+$0x0], $0xffff  }
0x32: {  	v1 =	vld.idx.msk [tilespmem:v1+s13+$0x0], $0xffff  }
0x33: {  	v2 =	vld.idx.msk [tilespmem:v2+s13+$0x0], $0xffff  }
0x34: {  	v3 =	vld.idx.msk [tilespmem:v3+s13+$0x0], $0xffff  }
0x35: {  	v4 =	vld.idx.msk [tilespmem:v4+s13+$0x0], $0xffff  }
0x36: {  	s22 =	simm.s32 $0x1C800;
	v5 =	vld.idx.msk [tilespmem:v5+s13+$0x0], $0xffff  }
0x37: {  	[tilespmem:s22+$0x70] =	vst v0;
	v0 =	vld.idx.msk [tilespmem:v6+s13+$0x0], $0xffff  }
0x38: {  	[tilespmem:s22+$0xFFFFFF10] =	vst v1;
	v1 =	vld.idx.msk [tilespmem:v7+s13+$0x0], $0xffff  }
0x39: {  	v6 =	vld.idx.msk [tilespmem:v15+s13+$0x0], $0xffff;
	[tilespmem:s22+$0xFFFFFF20] =	vst v2  }
0x3a: {  	[tilespmem:s22+$0xFFFFFF30] =	vst v3;
	v7 =	vld.idx.msk [tilespmem:v8+s13+$0x0], $0xffff  }
0x3b: {  	[tilespmem:s22+$0xFFFFFF40] =	vst v4;
	v3 =	vld.idx.msk [tilespmem:v9+s13+$0x0], $0xffff  }
0x3c: {  	[tilespmem:s22+$0xFFFFFF50] =	vst v5;
	v4 =	vld.idx.msk [tilespmem:v10+s13+$0x0], $0xffff  }
0x3d: {  	v2 =	vld.idx.msk [tilespmem:v13+s13+$0x0], $0xffff;
	[tilespmem:s22+$0xFFFFFF60] =	vst v0  }
0x3e: {  	v0 =	vld.idx.msk [tilespmem:v11+s13+$0x0], $0xffff;
	[tilespmem:s22+$0xFFFFFF70] =	vst v1  }
0x3f: {  	v1 =	vld.idx.msk [tilespmem:v12+s13+$0x0], $0xffff;
	[tilespmem:s22+$0xFFFFFF00] =	vst v6  }
0x40: {  	s24 =	simm.s32 $0x180;
	s23 =	simm.s32 $0x0;
	v5 =	vld.idx.msk [tilespmem:v14+s13+$0x0], $0xffff;
	[tilespmem:s22+$0x0] =	vst v7  }
.LBB2_3:
0x41: {  	v6 =	vld [tilespmem:s24+$0x70];
	s23 =	sadd.s32 $0x10, s23;
	[tilespmem:s22+$0x10] =	vst v3  }
0x42: {  	v3 =	vld [tilespmem:s24+$0xFFFFFF90];
	p0 =	slt.u32 s23, $0xF0;
	[tilespmem:s22+$0x20] =	vst v4  }
0x43: {  	v4 =	vld [tilespmem:s24+$0xFFFFFFA0];
	[tilespmem:s22+$0x30] =	vst v0  }
0x44: {  	v0 =	vld [tilespmem:s24+$0xFFFFFFB0];
	[tilespmem:s22+$0x40] =	vst v1  }
0x45: {  	v1 =	vld [tilespmem:s24+$0xFFFFFFC0];
	[tilespmem:s22+$0x50] =	vst v2  }
0x46: {  	v2 =	vld [tilespmem:s24+$0xFFFFFFD0];
	[tilespmem:s22+$0x60] =	vst v5  }
0x47: {  	v5 =	vld [tilespmem:s24+$0xFFFFFFE0]  }
0x48: {  	v7 =	vld [tilespmem:s24+$0xFFFFFFF0]  }
0x49: {  	v6 =	vld.idx.msk [tilespmem:v6+s13+$0x0], $0xffff  }
0x4a: {  	v8 =	vld [tilespmem:s24+$0x0]  }
0x4b: {  	v9 =	vld [tilespmem:s24+$0x10]  }
0x4c: {  	v10 =	vld [tilespmem:s24+$0x20]  }
0x4d: {  	v11 =	vld [tilespmem:s24+$0x30]  }
0x4e: {  	s22 =	sadd.s32 $0x200, s22;
	v12 =	vld [tilespmem:s24+$0x40]  }
0x4f: {  	v13 =	vld [tilespmem:s24+$0x50];
	[tilespmem:s22+$0x70] =	vst v6  }
0x50: {  	v6 =	vld [tilespmem:s24+$0x60]  }
0x51: {  	v14 =	vld [tilespmem:s24+$0xFFFFFF80]  }
0x52: {  	v3 =	vld.idx.msk [tilespmem:v3+s13+$0x0], $0xffff  }
0x53: {  	v4 =	vld.idx.msk [tilespmem:v4+s13+$0x0], $0xffff  }
0x54: {  	v0 =	vld.idx.msk [tilespmem:v0+s13+$0x0], $0xffff  }
0x55: {  	v1 =	vld.idx.msk [tilespmem:v1+s13+$0x0], $0xffff  }
0x56: {  	v2 =	vld.idx.msk [tilespmem:v2+s13+$0x0], $0xffff  }
0x57: {  	v5 =	vld.idx.msk [tilespmem:v5+s13+$0x0], $0xffff  }
0x58: {  	[tilespmem:s22+$0xFFFFFF10] =	vst v3;
	v7 =	vld.idx.msk [tilespmem:v7+s13+$0x0], $0xffff  }
0x59: {  	v14 =	vld.idx.msk [tilespmem:v14+s13+$0x0], $0xffff;
	[tilespmem:s22+$0xFFFFFF20] =	vst v4  }
0x5a: {  	[tilespmem:s22+$0xFFFFFF30] =	vst v0;
	v8 =	vld.idx.msk [tilespmem:v8+s13+$0x0], $0xffff  }
0x5b: {  	[tilespmem:s22+$0xFFFFFF40] =	vst v1;
	v3 =	vld.idx.msk [tilespmem:v9+s13+$0x0], $0xffff  }
.Ltmp0:
0x5c: {  	[tilespmem:s22+$0xFFFFFF50] =	vst v2;
	v4 =	vld.idx.msk [tilespmem:v10+s13+$0x0], $0xffff;
	(pc) =	sbr.rel @p0 .LBB2_3-.Ltmp0, $4  }
0x5d: {  	[tilespmem:s22+$0xFFFFFF60] =	vst v5;
	v0 =	vld.idx.msk [tilespmem:v11+s13+$0x0], $0xffff  }
0x5e: {  	[tilespmem:s22+$0xFFFFFF70] =	vst v7;
	v1 =	vld.idx.msk [tilespmem:v12+s13+$0x0], $0xffff  }
0x5f: {  	[tilespmem:s22+$0xFFFFFF00] =	vst v14;
	v2 =	vld.idx.msk [tilespmem:v13+s13+$0x0], $0xffff  }
0x60: {  	s24 =	sadd.s32 $0x100, s24;
	[tilespmem:s22+$0x0] =	vst v8;
	v5 =	vld.idx.msk [tilespmem:v6+s13+$0x0], $0xffff  }
0x61: {  	[tilespmem:s22+$0x10] =	vst v3  }
0x62: {  	[tilespmem:s22+$0x20] =	vst v4;
	s19 =	sshll.u32 s19, $0x13;
	s20 =	sshll.u32 s20, $0x11  }
0x63: {  	[tilespmem:s22+$0x30] =	vst v0;
	s19 =	sor.u32 s19, s20  }
0x64: {  	[tilespmem:s22+$0x40] =	vst v1;
	s19 =	sor.u32 s21, s19  }
0x65: {  	[tilespmem:s22+$0x50] =	vst v2;
	s19 =	sshrl.u32 s19, $0x3  }
0x66: {  	s21 =	simm.s32 $0x0;
	[tilespmem:s22+$0x60] =	vst v5;
	s20 =	sadd.s32 s3, s19;
	s22 =	simm.s32 $0x1C700  }
.LBB2_5:
0x67: {  	p0 =	sne.s32 s21, $0xF80  }
.Ltmp1:
0x68: {  	_ = 	snop;
	(pc) =	sbr.rel @p0 .LBB2_5-.Ltmp1, $4  }
0x69: {  	_ = 	snop  }
0x6a: {  	s23 =	sadd.s32 s21, s20  }
0x6b: {  	[hbm4b:s23+s5] =	stream.linear.scatter [tilespmem:s22], [sflag:$0x1], $0x80, $0x38;
	[tilespmem:$0x1E700] =	vst v63  }
0x6c: {  	s21 =	sadd.s32 $0x80, s21;
	s22 =	sadd.s32 $0x100, s22  }
0x6d: {  	s20 =	simm.s32 $0x10F0  }
0x6e: {  	v0 =	vld [tilespmem:s20+$0x0]  }
0x6f: {  	v1 =	vld [tilespmem:s20+$0xFFFFFF20]  }
0x70: {  	v2 =	vld [tilespmem:s20+$0xFFFFFF30]  }
0x71: {  	v3 =	vld [tilespmem:s20+$0xFFFFFF40]  }
0x72: {  	v4 =	vld [tilespmem:s20+$0xFFFFFF50]  }
0x73: {  	v5 =	vld [tilespmem:s20+$0xFFFFFF60]  }
0x74: {  	v6 =	vld [tilespmem:s20+$0xFFFFFF70]  }
0x75: {  	v7 =	vld [tilespmem:s20+$0xFFFFFF80]  }
0x76: {  	v8 =	vld [tilespmem:s20+$0xFFFFFF90]  }
0x77: {  	v9 =	vld [tilespmem:s20+$0xFFFFFFA0]  }
0x78: {  	v10 =	vld [tilespmem:s20+$0xFFFFFFB0]  }
0x79: {  	v11 =	vld [tilespmem:s20+$0xFFFFFFC0]  }
0x7a: {  	v12 =	vld [tilespmem:s20+$0xFFFFFFD0]  }
0x7b: {  	v13 =	vld [tilespmem:s20+$0xFFFFFFE0]  }
0x7c: {  	v14 =	vld [tilespmem:s20+$0xFFFFFFF0]  }
0x7d: {  	v15 =	vld [tilespmem:s20+$0xFFFFFF10]  }
0x7e: {  	v0 =	vld.idx.msk [tilespmem:v0+s13+$0x0], $0xffff  }
0x7f: {  	v1 =	vld.idx.msk [tilespmem:v1+s13+$0x0], $0xffff  }
0x80: {  	v2 =	vld.idx.msk [tilespmem:v2+s13+$0x0], $0xffff  }
0x81: {  	v3 =	vld.idx.msk [tilespmem:v3+s13+$0x0], $0xffff  }
0x82: {  	v4 =	vld.idx.msk [tilespmem:v4+s13+$0x0], $0xffff  }
0x83: {  	s20 =	simm.s32 $0x1C880;
	v5 =	vld.idx.msk [tilespmem:v5+s13+$0x0], $0xffff  }
0x84: {  	v6 =	vld.idx.msk [tilespmem:v6+s13+$0x0], $0xffff;
	[tilespmem:s20+$0x70] =	vst v0  }
0x85: {  	v7 =	vld.idx.msk [tilespmem:v7+s13+$0x0], $0xffff;
	[tilespmem:s20+$0xFFFFFF10] =	vst v1  }
0x86: {  	v15 =	vld.idx.msk [tilespmem:v15+s13+$0x0], $0xffff;
	[tilespmem:s20+$0xFFFFFF20] =	vst v2  }
0x87: {  	v8 =	vld.idx.msk [tilespmem:v8+s13+$0x0], $0xffff;
	[tilespmem:s20+$0xFFFFFF30] =	vst v3  }
0x88: {  	[tilespmem:s20+$0xFFFFFF40] =	vst v4;
	v0 =	vld.idx.msk [tilespmem:v9+s13+$0x0], $0xffff  }
0x89: {  	[tilespmem:s20+$0xFFFFFF50] =	vst v5;
	v1 =	vld.idx.msk [tilespmem:v10+s13+$0x0], $0xffff  }
0x8a: {  	[tilespmem:s20+$0xFFFFFF60] =	vst v6;
	v2 =	vld.idx.msk [tilespmem:v11+s13+$0x0], $0xffff  }
0x8b: {  	[tilespmem:s20+$0xFFFFFF70] =	vst v7;
	v3 =	vld.idx.msk [tilespmem:v12+s13+$0x0], $0xffff  }
0x8c: {  	[tilespmem:s20+$0xFFFFFF00] =	vst v15;
	v4 =	vld.idx.msk [tilespmem:v13+s13+$0x0], $0xffff  }
0x8d: {  	s21 =	simm.s32 $0x0;
	s22 =	simm.s32 $0x11F0;
	[tilespmem:s20+$0x0] =	vst v8;
	v5 =	vld.idx.msk [tilespmem:v14+s13+$0x0], $0xffff  }
.LBB2_7:
0x8e: {  	v6 =	vld [tilespmem:s22+$0x0];
	s21 =	sadd.s32 $0x10, s21;
	[tilespmem:s20+$0x10] =	vst v0  }
0x8f: {  	v0 =	vld [tilespmem:s22+$0xFFFFFF20];
	p0 =	slt.u32 s21, $0xF0;
	[tilespmem:s20+$0x20] =	vst v1  }
0x90: {  	v1 =	vld [tilespmem:s22+$0xFFFFFF30];
	[tilespmem:s20+$0x30] =	vst v2  }
0x91: {  	v2 =	vld [tilespmem:s22+$0xFFFFFF40];
	[tilespmem:s20+$0x40] =	vst v3  }
0x92: {  	v3 =	vld [tilespmem:s22+$0xFFFFFF50];
	[tilespmem:s20+$0x50] =	vst v4  }
0x93: {  	v4 =	vld [tilespmem:s22+$0xFFFFFF60];
	[tilespmem:s20+$0x60] =	vst v5  }
0x94: {  	v5 =	vld [tilespmem:s22+$0xFFFFFF70]  }
0x95: {  	v7 =	vld [tilespmem:s22+$0xFFFFFF80]  }
0x96: {  	v6 =	vld.idx.msk [tilespmem:v6+s13+$0x0], $0xffff  }
0x97: {  	v8 =	vld [tilespmem:s22+$0xFFFFFF90]  }
0x98: {  	v9 =	vld [tilespmem:s22+$0xFFFFFFA0]  }
0x99: {  	v10 =	vld [tilespmem:s22+$0xFFFFFFB0]  }
0x9a: {  	v11 =	vld [tilespmem:s22+$0xFFFFFFC0]  }
0x9b: {  	s20 =	sadd.s32 $0x200, s20;
	v12 =	vld [tilespmem:s22+$0xFFFFFFD0]  }
0x9c: {  	v13 =	vld [tilespmem:s22+$0xFFFFFFE0];
	[tilespmem:s20+$0x70] =	vst v6  }
0x9d: {  	v6 =	vld [tilespmem:s22+$0xFFFFFFF0]  }
0x9e: {  	v14 =	vld [tilespmem:s22+$0xFFFFFF10]  }
0x9f: {  	v0 =	vld.idx.msk [tilespmem:v0+s13+$0x0], $0xffff  }
0xa0: {  	v1 =	vld.idx.msk [tilespmem:v1+s13+$0x0], $0xffff  }
0xa1: {  	v2 =	vld.idx.msk [tilespmem:v2+s13+$0x0], $0xffff  }
0xa2: {  	v3 =	vld.idx.msk [tilespmem:v3+s13+$0x0], $0xffff  }
0xa3: {  	v4 =	vld.idx.msk [tilespmem:v4+s13+$0x0], $0xffff  }
0xa4: {  	v5 =	vld.idx.msk [tilespmem:v5+s13+$0x0], $0xffff  }
0xa5: {  	[tilespmem:s20+$0xFFFFFF10] =	vst v0;
	v7 =	vld.idx.msk [tilespmem:v7+s13+$0x0], $0xffff  }
0xa6: {  	v14 =	vld.idx.msk [tilespmem:v14+s13+$0x0], $0xffff;
	[tilespmem:s20+$0xFFFFFF20] =	vst v1  }
0xa7: {  	[tilespmem:s20+$0xFFFFFF30] =	vst v2;
	v8 =	vld.idx.msk [tilespmem:v8+s13+$0x0], $0xffff  }
0xa8: {  	[tilespmem:s20+$0xFFFFFF40] =	vst v3;
	v0 =	vld.idx.msk [tilespmem:v9+s13+$0x0], $0xffff  }
.Ltmp2:
0xa9: {  	[tilespmem:s20+$0xFFFFFF50] =	vst v4;
	v1 =	vld.idx.msk [tilespmem:v10+s13+$0x0], $0xffff;
	(pc) =	sbr.rel @p0 .LBB2_7-.Ltmp2, $4  }
0xaa: {  	[tilespmem:s20+$0xFFFFFF60] =	vst v5;
	v2 =	vld.idx.msk [tilespmem:v11+s13+$0x0], $0xffff  }
0xab: {  	[tilespmem:s20+$0xFFFFFF70] =	vst v7;
	v3 =	vld.idx.msk [tilespmem:v12+s13+$0x0], $0xffff  }
0xac: {  	[tilespmem:s20+$0xFFFFFF00] =	vst v14;
	v4 =	vld.idx.msk [tilespmem:v13+s13+$0x0], $0xffff  }
0xad: {  	s22 =	sadd.s32 $0x100, s22;
	[tilespmem:s20+$0x0] =	vst v8;
	v5 =	vld.idx.msk [tilespmem:v6+s13+$0x0], $0xffff  }
0xae: {  	[tilespmem:s20+$0x10] =	vst v0  }
0xaf: {  	[tilespmem:s20+$0x20] =	vst v1  }
0xb0: {  	[tilespmem:s20+$0x30] =	vst v2  }
0xb1: {  	[tilespmem:s20+$0x40] =	vst v3  }
0xb2: {  	s21 =	sadd.s32 s19, s7;
	s22 =	simm.s32 $0x1C780;
	[tilespmem:s20+$0x50] =	vst v4  }
0xb3: {  	s23 =	simm.s32 $0x1C880;
	s24 =	sadd.s32 $0x0, s21;
	[tilespmem:s20+$0x60] =	vst v5;
	s20 =	simm.s32 $0x80  }
.LBB2_9:
0xb4: {  	[hbm4b:s24+s5] =	stream.linear.scatter [tilespmem:s22], [sflag:$0x1], $0x80, $0x38;
	[tilespmem:$0x1E700] =	vst v63  }
0xb5: {  	s24 =	smov.u32 s20;
	s22 =	smov.u32 s23;
	p0 =	sne.s32 s20, $0xF80  }
.Ltmp3:
0xb6: {  	s20 =	sadd.s32 $0x80, s20;
	(pc) =	sbr.rel @p0 .LBB2_9-.Ltmp3, $2  }
0xb7: {  	_ =	sdelay $0x2  }
0xb8: {  	s23 =	sadd.s32 $0x100, s23;
	s24 =	sadd.s32 s24, s21  }
0xb9: {  	[hbm4b:s24+s5] =	stream.linear.scatter [tilespmem:s22], [sflag:$0x1], $0x80, $0x38;
	[tilespmem:$0x1E700] =	vst v63  }
0xba: {  	_ =	swait.ge [sflag:s16], $0x1000  }
0xbb: {  	[sflag:s16] =	ssyncset.done $0x0  }
0xbc: {  	s20 =	simm.s32 $0x20F0;
	[sflag:s16] =	ssyncadd.s32 $0xFFFFF000  }
0xbd: {  	v0 =	vld [tilespmem:s20+$0x0]  }
0xbe: {  	v1 =	vld [tilespmem:s20+$0xFFFFFF20]  }
0xbf: {  	v2 =	vld [tilespmem:s20+$0xFFFFFF30]  }
0xc0: {  	v3 =	vld [tilespmem:s20+$0xFFFFFF40]  }
0xc1: {  	v4 =	vld [tilespmem:s20+$0xFFFFFF50]  }
0xc2: {  	v5 =	vld [tilespmem:s20+$0xFFFFFF60]  }
0xc3: {  	v6 =	vld [tilespmem:s20+$0xFFFFFF70]  }
0xc4: {  	v7 =	vld [tilespmem:s20+$0xFFFFFF80]  }
0xc5: {  	v8 =	vld [tilespmem:s20+$0xFFFFFF90]  }
0xc6: {  	v9 =	vld [tilespmem:s20+$0xFFFFFFA0]  }
0xc7: {  	v10 =	vld [tilespmem:s20+$0xFFFFFFB0]  }
0xc8: {  	v11 =	vld [tilespmem:s20+$0xFFFFFFC0]  }
0xc9: {  	v12 =	vld [tilespmem:s20+$0xFFFFFFD0]  }
0xca: {  	v13 =	vld [tilespmem:s20+$0xFFFFFFE0]  }
0xcb: {  	v14 =	vld [tilespmem:s20+$0xFFFFFFF0]  }
0xcc: {  	v15 =	vld [tilespmem:s20+$0xFFFFFF10]  }
0xcd: {  	v0 =	vld.idx.msk [tilespmem:v0+s13+$0x0], $0xffff  }
0xce: {  	v1 =	vld.idx.msk [tilespmem:v1+s13+$0x0], $0xffff  }
0xcf: {  	v2 =	vld.idx.msk [tilespmem:v2+s13+$0x0], $0xffff  }
0xd0: {  	v3 =	vld.idx.msk [tilespmem:v3+s13+$0x0], $0xffff  }
0xd1: {  	v4 =	vld.idx.msk [tilespmem:v4+s13+$0x0], $0xffff  }
0xd2: {  	s20 =	simm.s32 $0x1C800;
	v5 =	vld.idx.msk [tilespmem:v5+s13+$0x0], $0xffff  }
0xd3: {  	v6 =	vld.idx.msk [tilespmem:v6+s13+$0x0], $0xffff;
	[tilespmem:s20+$0x70] =	vst v0  }
0xd4: {  	v7 =	vld.idx.msk [tilespmem:v7+s13+$0x0], $0xffff;
	[tilespmem:s20+$0xFFFFFF10] =	vst v1  }
0xd5: {  	v15 =	vld.idx.msk [tilespmem:v15+s13+$0x0], $0xffff;
	[tilespmem:s20+$0xFFFFFF20] =	vst v2  }
0xd6: {  	v8 =	vld.idx.msk [tilespmem:v8+s13+$0x0], $0xffff;
	[tilespmem:s20+$0xFFFFFF30] =	vst v3  }
0xd7: {  	[tilespmem:s20+$0xFFFFFF40] =	vst v4;
	v0 =	vld.idx.msk [tilespmem:v9+s13+$0x0], $0xffff  }
0xd8: {  	[tilespmem:s20+$0xFFFFFF50] =	vst v5;
	v1 =	vld.idx.msk [tilespmem:v10+s13+$0x0], $0xffff  }
0xd9: {  	[tilespmem:s20+$0xFFFFFF60] =	vst v6;
	v2 =	vld.idx.msk [tilespmem:v11+s13+$0x0], $0xffff  }
0xda: {  	[tilespmem:s20+$0xFFFFFF70] =	vst v7;
	v3 =	vld.idx.msk [tilespmem:v12+s13+$0x0], $0xffff  }
0xdb: {  	[tilespmem:s20+$0xFFFFFF00] =	vst v15;
	v4 =	vld.idx.msk [tilespmem:v13+s13+$0x0], $0xffff  }
0xdc: {  	s21 =	simm.s32 $0x0;
	s22 =	simm.s32 $0x21F0;
	[tilespmem:s20+$0x0] =	vst v8;
	v5 =	vld.idx.msk [tilespmem:v14+s13+$0x0], $0xffff  }
.LBB2_11:
0xdd: {  	v6 =	vld [tilespmem:s22+$0x0];
	s21 =	sadd.s32 $0x10, s21;
	[tilespmem:s20+$0x10] =	vst v0  }
0xde: {  	v0 =	vld [tilespmem:s22+$0xFFFFFF20];
	p0 =	slt.u32 s21, $0xF0;
	[tilespmem:s20+$0x20] =	vst v1  }
0xdf: {  	v1 =	vld [tilespmem:s22+$0xFFFFFF30];
	[tilespmem:s20+$0x30] =	vst v2  }
0xe0: {  	v2 =	vld [tilespmem:s22+$0xFFFFFF40];
	[tilespmem:s20+$0x40] =	vst v3  }
0xe1: {  	v3 =	vld [tilespmem:s22+$0xFFFFFF50];
	[tilespmem:s20+$0x50] =	vst v4  }
0xe2: {  	v4 =	vld [tilespmem:s22+$0xFFFFFF60];
	[tilespmem:s20+$0x60] =	vst v5  }
0xe3: {  	v5 =	vld [tilespmem:s22+$0xFFFFFF70]  }
0xe4: {  	v7 =	vld [tilespmem:s22+$0xFFFFFF80]  }
0xe5: {  	v6 =	vld.idx.msk [tilespmem:v6+s13+$0x0], $0xffff  }
0xe6: {  	v8 =	vld [tilespmem:s22+$0xFFFFFF90]  }
0xe7: {  	v9 =	vld [tilespmem:s22+$0xFFFFFFA0]  }
0xe8: {  	v10 =	vld [tilespmem:s22+$0xFFFFFFB0]  }
0xe9: {  	v11 =	vld [tilespmem:s22+$0xFFFFFFC0]  }
0xea: {  	s20 =	sadd.s32 $0x200, s20;
	v12 =	vld [tilespmem:s22+$0xFFFFFFD0]  }
0xeb: {  	v13 =	vld [tilespmem:s22+$0xFFFFFFE0];
	[tilespmem:s20+$0x70] =	vst v6  }
0xec: {  	v6 =	vld [tilespmem:s22+$0xFFFFFFF0]  }
0xed: {  	v14 =	vld [tilespmem:s22+$0xFFFFFF10]  }
0xee: {  	v0 =	vld.idx.msk [tilespmem:v0+s13+$0x0], $0xffff  }
0xef: {  	v1 =	vld.idx.msk [tilespmem:v1+s13+$0x0], $0xffff  }
0xf0: {  	v2 =	vld.idx.msk [tilespmem:v2+s13+$0x0], $0xffff  }
0xf1: {  	v3 =	vld.idx.msk [tilespmem:v3+s13+$0x0], $0xffff  }
0xf2: {  	v4 =	vld.idx.msk [tilespmem:v4+s13+$0x0], $0xffff  }
0xf3: {  	v5 =	vld.idx.msk [tilespmem:v5+s13+$0x0], $0xffff  }
0xf4: {  	[tilespmem:s20+$0xFFFFFF10] =	vst v0;
	v7 =	vld.idx.msk [tilespmem:v7+s13+$0x0], $0xffff  }
0xf5: {  	v14 =	vld.idx.msk [tilespmem:v14+s13+$0x0], $0xffff;
	[tilespmem:s20+$0xFFFFFF20] =	vst v1  }
0xf6: {  	[tilespmem:s20+$0xFFFFFF30] =	vst v2;
	v8 =	vld.idx.msk [tilespmem:v8+s13+$0x0], $0xffff  }
0xf7: {  	[tilespmem:s20+$0xFFFFFF40] =	vst v3;
	v0 =	vld.idx.msk [tilespmem:v9+s13+$0x0], $0xffff  }
.Ltmp4:
0xf8: {  	[tilespmem:s20+$0xFFFFFF50] =	vst v4;
	v1 =	vld.idx.msk [tilespmem:v10+s13+$0x0], $0xffff;
	(pc) =	sbr.rel @p0 .LBB2_11-.Ltmp4, $4  }
0xf9: {  	[tilespmem:s20+$0xFFFFFF60] =	vst v5;
	v2 =	vld.idx.msk [tilespmem:v11+s13+$0x0], $0xffff  }
0xfa: {  	[tilespmem:s20+$0xFFFFFF70] =	vst v7;
	v3 =	vld.idx.msk [tilespmem:v12+s13+$0x0], $0xffff  }
0xfb: {  	[tilespmem:s20+$0xFFFFFF00] =	vst v14;
	v4 =	vld.idx.msk [tilespmem:v13+s13+$0x0], $0xffff  }
0xfc: {  	s22 =	sadd.s32 $0x100, s22;
	[tilespmem:s20+$0x0] =	vst v8;
	v5 =	vld.idx.msk [tilespmem:v6+s13+$0x0], $0xffff  }
0xfd: {  	[tilespmem:s20+$0x10] =	vst v0  }
0xfe: {  	[tilespmem:s20+$0x20] =	vst v1  }
0xff: {  	[tilespmem:s20+$0x30] =	vst v2  }
0x100: {  	[tilespmem:s20+$0x40] =	vst v3  }
0x101: {  	s21 =	sadd.s32 s19, s8;
	s22 =	simm.s32 $0x1C700;
	[tilespmem:s20+$0x50] =	vst v4  }
0x102: {  	s23 =	simm.s32 $0x1C800;
	s24 =	sadd.s32 $0x0, s21;
	[tilespmem:s20+$0x60] =	vst v5;
	s20 =	simm.s32 $0x80  }
.LBB2_13:
0x103: {  	[hbm4b:s24+s5] =	stream.linear.scatter [tilespmem:s22], [sflag:$0x1], $0x80, $0x38;
	[tilespmem:$0x1E700] =	vst v63  }
0x104: {  	s24 =	smov.u32 s20;
	s22 =	smov.u32 s23;
	p0 =	sne.s32 s20, $0xF80  }
.Ltmp5:
0x105: {  	s20 =	sadd.s32 $0x80, s20;
	(pc) =	sbr.rel @p0 .LBB2_13-.Ltmp5, $2  }
0x106: {  	_ =	sdelay $0x2  }
0x107: {  	s23 =	sadd.s32 $0x100, s23;
	s24 =	sadd.s32 s24, s21  }
0x108: {  	[hbm4b:s24+s5] =	stream.linear.scatter [tilespmem:s22], [sflag:$0x1], $0x80, $0x38;
	[tilespmem:$0x1E700] =	vst v63  }
0x109: {  	_ =	swait.ge [sflag:s16], $0x1000  }
0x10a: {  	[sflag:s16] =	ssyncset.done $0x0  }
0x10b: {  	s20 =	simm.s32 $0x30F0;
	[sflag:s16] =	ssyncadd.s32 $0xFFFFF000  }
0x10c: {  	v0 =	vld [tilespmem:s20+$0x0]  }
0x10d: {  	v1 =	vld [tilespmem:s20+$0xFFFFFF20]  }
0x10e: {  	v2 =	vld [tilespmem:s20+$0xFFFFFF30]  }
0x10f: {  	v3 =	vld [tilespmem:s20+$0xFFFFFF40]  }
0x110: {  	v4 =	vld [tilespmem:s20+$0xFFFFFF50]  }
0x111: {  	v5 =	vld [tilespmem:s20+$0xFFFFFF60]  }
0x112: {  	v6 =	vld [tilespmem:s20+$0xFFFFFF70]  }
0x113: {  	v7 =	vld [tilespmem:s20+$0xFFFFFF80]  }
0x114: {  	v8 =	vld [tilespmem:s20+$0xFFFFFF90]  }
0x115: {  	v9 =	vld [tilespmem:s20+$0xFFFFFFA0]  }
0x116: {  	v10 =	vld [tilespmem:s20+$0xFFFFFFB0]  }
0x117: {  	v11 =	vld [tilespmem:s20+$0xFFFFFFC0]  }
0x118: {  	v12 =	vld [tilespmem:s20+$0xFFFFFFD0]  }
0x119: {  	v13 =	vld [tilespmem:s20+$0xFFFFFFE0]  }
0x11a: {  	v14 =	vld [tilespmem:s20+$0xFFFFFFF0]  }
0x11b: {  	v15 =	vld [tilespmem:s20+$0xFFFFFF10]  }
0x11c: {  	v0 =	vld.idx.msk [tilespmem:v0+s13+$0x0], $0xffff  }
0x11d: {  	v1 =	vld.idx.msk [tilespmem:v1+s13+$0x0], $0xffff  }
0x11e: {  	v2 =	vld.idx.msk [tilespmem:v2+s13+$0x0], $0xffff  }
0x11f: {  	v3 =	vld.idx.msk [tilespmem:v3+s13+$0x0], $0xffff  }
0x120: {  	v4 =	vld.idx.msk [tilespmem:v4+s13+$0x0], $0xffff  }
0x121: {  	s20 =	simm.s32 $0x1C880;
	v5 =	vld.idx.msk [tilespmem:v5+s13+$0x0], $0xffff  }
0x122: {  	v6 =	vld.idx.msk [tilespmem:v6+s13+$0x0], $0xffff;
	[tilespmem:s20+$0x70] =	vst v0  }
0x123: {  	v7 =	vld.idx.msk [tilespmem:v7+s13+$0x0], $0xffff;
	[tilespmem:s20+$0xFFFFFF10] =	vst v1  }
0x124: {  	v15 =	vld.idx.msk [tilespmem:v15+s13+$0x0], $0xffff;
	[tilespmem:s20+$0xFFFFFF20] =	vst v2  }
0x125: {  	v8 =	vld.idx.msk [tilespmem:v8+s13+$0x0], $0xffff;
	[tilespmem:s20+$0xFFFFFF30] =	vst v3  }
0x126: {  	[tilespmem:s20+$0xFFFFFF40] =	vst v4;
	v0 =	vld.idx.msk [tilespmem:v9+s13+$0x0], $0xffff  }
0x127: {  	[tilespmem:s20+$0xFFFFFF50] =	vst v5;
	v1 =	vld.idx.msk [tilespmem:v10+s13+$0x0], $0xffff  }
0x128: {  	[tilespmem:s20+$0xFFFFFF60] =	vst v6;
	v2 =	vld.idx.msk [tilespmem:v11+s13+$0x0], $0xffff  }
0x129: {  	[tilespmem:s20+$0xFFFFFF70] =	vst v7;
	v3 =	vld.idx.msk [tilespmem:v12+s13+$0x0], $0xffff  }
0x12a: {  	[tilespmem:s20+$0xFFFFFF00] =	vst v15;
	v4 =	vld.idx.msk [tilespmem:v13+s13+$0x0], $0xffff  }
0x12b: {  	s21 =	simm.s32 $0x0;
	s22 =	simm.s32 $0x31F0;
	[tilespmem:s20+$0x0] =	vst v8;
	v5 =	vld.idx.msk [tilespmem:v14+s13+$0x0], $0xffff  }
.LBB2_15:
0x12c: {  	v6 =	vld [tilespmem:s22+$0x0];
	s21 =	sadd.s32 $0x10, s21;
	[tilespmem:s20+$0x10] =	vst v0  }
0x12d: {  	v0 =	vld [tilespmem:s22+$0xFFFFFF20];
	p0 =	slt.u32 s21, $0xF0;
	[tilespmem:s20+$0x20] =	vst v1  }
0x12e: {  	v1 =	vld [tilespmem:s22+$0xFFFFFF30];
	[tilespmem:s20+$0x30] =	vst v2  }
0x12f: {  	v2 =	vld [tilespmem:s22+$0xFFFFFF40];
	[tilespmem:s20+$0x40] =	vst v3  }
0x130: {  	v3 =	vld [tilespmem:s22+$0xFFFFFF50];
	[tilespmem:s20+$0x50] =	vst v4  }
0x131: {  	v4 =	vld [tilespmem:s22+$0xFFFFFF60];
	[tilespmem:s20+$0x60] =	vst v5  }
0x132: {  	v5 =	vld [tilespmem:s22+$0xFFFFFF70]  }
0x133: {  	v7 =	vld [tilespmem:s22+$0xFFFFFF80]  }
0x134: {  	v6 =	vld.idx.msk [tilespmem:v6+s13+$0x0], $0xffff  }
0x135: {  	v8 =	vld [tilespmem:s22+$0xFFFFFF90]  }
0x136: {  	v9 =	vld [tilespmem:s22+$0xFFFFFFA0]  }
0x137: {  	v10 =	vld [tilespmem:s22+$0xFFFFFFB0]  }
0x138: {  	v11 =	vld [tilespmem:s22+$0xFFFFFFC0]  }
0x139: {  	s20 =	sadd.s32 $0x200, s20;
	v12 =	vld [tilespmem:s22+$0xFFFFFFD0]  }
0x13a: {  	v13 =	vld [tilespmem:s22+$0xFFFFFFE0];
	[tilespmem:s20+$0x70] =	vst v6  }
0x13b: {  	v6 =	vld [tilespmem:s22+$0xFFFFFFF0]  }
0x13c: {  	v14 =	vld [tilespmem:s22+$0xFFFFFF10]  }
0x13d: {  	v0 =	vld.idx.msk [tilespmem:v0+s13+$0x0], $0xffff  }
0x13e: {  	v1 =	vld.idx.msk [tilespmem:v1+s13+$0x0], $0xffff  }
0x13f: {  	v2 =	vld.idx.msk [tilespmem:v2+s13+$0x0], $0xffff  }
0x140: {  	v3 =	vld.idx.msk [tilespmem:v3+s13+$0x0], $0xffff  }
0x141: {  	v4 =	vld.idx.msk [tilespmem:v4+s13+$0x0], $0xffff  }
0x142: {  	v5 =	vld.idx.msk [tilespmem:v5+s13+$0x0], $0xffff  }
0x143: {  	[tilespmem:s20+$0xFFFFFF10] =	vst v0;
	v7 =	vld.idx.msk [tilespmem:v7+s13+$0x0], $0xffff  }
0x144: {  	v14 =	vld.idx.msk [tilespmem:v14+s13+$0x0], $0xffff;
	[tilespmem:s20+$0xFFFFFF20] =	vst v1  }
0x145: {  	[tilespmem:s20+$0xFFFFFF30] =	vst v2;
	v8 =	vld.idx.msk [tilespmem:v8+s13+$0x0], $0xffff  }
0x146: {  	[tilespmem:s20+$0xFFFFFF40] =	vst v3;
	v0 =	vld.idx.msk [tilespmem:v9+s13+$0x0], $0xffff  }
.Ltmp6:
0x147: {  	[tilespmem:s20+$0xFFFFFF50] =	vst v4;
	v1 =	vld.idx.msk [tilespmem:v10+s13+$0x0], $0xffff;
	(pc) =	sbr.rel @p0 .LBB2_15-.Ltmp6, $4  }
0x148: {  	[tilespmem:s20+$0xFFFFFF60] =	vst v5;
	v2 =	vld.idx.msk [tilespmem:v11+s13+$0x0], $0xffff  }
0x149: {  	[tilespmem:s20+$0xFFFFFF70] =	vst v7;
	v3 =	vld.idx.msk [tilespmem:v12+s13+$0x0], $0xffff  }
0x14a: {  	[tilespmem:s20+$0xFFFFFF00] =	vst v14;
	v4 =	vld.idx.msk [tilespmem:v13+s13+$0x0], $0xffff  }
0x14b: {  	s22 =	sadd.s32 $0x100, s22;
	[tilespmem:s20+$0x0] =	vst v8;
	v5 =	vld.idx.msk [tilespmem:v6+s13+$0x0], $0xffff  }
0x14c: {  	[tilespmem:s20+$0x10] =	vst v0  }
0x14d: {  	[tilespmem:s20+$0x20] =	vst v1  }
0x14e: {  	[tilespmem:s20+$0x30] =	vst v2  }
0x14f: {  	[tilespmem:s20+$0x40] =	vst v3  }
0x150: {  	s19 =	sadd.s32 s19, s9;
	s21 =	simm.s32 $0x1C780;
	[tilespmem:s20+$0x50] =	vst v4  }
0x151: {  	s22 =	simm.s32 $0x1C880;
	s23 =	sadd.s32 $0x0, s19;
	[tilespmem:s20+$0x60] =	vst v5;
	s20 =	simm.s32 $0x80  }
.LBB2_17:
0x152: {  	[hbm4b:s23+s5] =	stream.linear.scatter [tilespmem:s21], [sflag:$0x1], $0x80, $0x38;
	[tilespmem:$0x1E700] =	vst v63  }
0x153: {  	s23 =	smov.u32 s20;
	s21 =	smov.u32 s22;
	p0 =	sne.s32 s20, $0xF80  }
.Ltmp7:
0x154: {  	s20 =	sadd.s32 $0x80, s20;
	(pc) =	sbr.rel @p0 .LBB2_17-.Ltmp7, $2  }
0x155: {  	_ =	sdelay $0x2  }
0x156: {  	s22 =	sadd.s32 $0x100, s22;
	s23 =	sadd.s32 s23, s19  }
0x157: {  	[hbm4b:s23+s5] =	stream.linear.scatter [tilespmem:s21], [sflag:$0x1], $0x80, $0x38;
	[tilespmem:$0x1E700] =	vst v63  }
0x158: {  	s18 =	sadd.s32 $0x1, s18  }
0x159: {  	_ =	swait.ge [sflag:s16], $0x1000;
	p0 =	sne.s32 s18, $0x1A  }
.Ltmp8:
0x15a: {  	[sflag:s16] =	ssyncset.done $0x0;
	(pc) =	sbr.rel @p0 .LBB2_2-.Ltmp8, $4  }
0x15b: {  	[sflag:s16] =	ssyncadd.s32 $0xFFFFF000  }
0x15c: {  	_ =	swait.ge [sflag:s16], $0x1000  }
0x15d: {  	[sflag:s16] =	ssyncset.done $0x0  }
0x15e: {  	[sflag:s16] =	ssyncadd.s32 $0xFFFFF000  }
0x15f: {  	s17 =	sadd.s32 $0x1, s17  }
0x160: {  	p0 =	sne.s32 s17, s10  }
.Ltmp9:
0x161: {  	_ = 	snop;
	(pc) =	sbr.rel @p0 .LBB2_1-.Ltmp9, $1  }
0x162: {  	_ =	sdelay $0x3  }
0x163: {  	_ =	sfence.sel $0x180000  }
0x164: {  	[bflag:$0x0] =	sbarrier.arrive $0xFFFF  }
0x165: {  	p0 =	sne.s32 s4, $0x0;
	_ =	strace $0x90000047  }
0x166: {  	s0 =	sadd.s32 @!p0 $0x100000, s0;
	[bflag:$0x2] =	sbarrier.arrive $0xFFFF  }
0x167: {  	[sflag:s0] =	ssyncadd.tile.s32 @!p0 $0x1;
	_ =	shalt  }
.Lfunc_end2:
_tile_overlayer_lowered:
.L_overlay_start_2:
0x168: {  	(tag) =	ssettag $0x2  }
0x169: {  	s0 =	rddreg [dreg:$0x0];
	s2 =	stileid.u32  }
0x16a: {  	s1 =	rddreg [dreg:$0x1];
	p0 =	sne.s32 s2, $0x0  }
0x16b: {  	s3 =	rddreg [dreg:$0x2];
	[bflag:$0x3] =	sbarrier.arrive $0xFFFF;
	s2 =	simm.s32 @!p0 $0x1C03  }
0x16c: {  	[timem:s3], [sflag:s2] =	dma.local @!p0 [hbm:s0], s1  }
0x16d: {  	s0 =	simm.s32 @!p0 $0x3  }
0x16e: {  	_ =	swait.ge @!p0 [sflag:s0], s1  }
0x16f: {  	s1 =	ssub.s32 @!p0 $0x0, s1;
	[sflag:s0] =	ssyncset.done @!p0 $0x0  }
0x170: {  	[sflag:s0] =	ssyncadd.s32 @!p0 s1  }
0x171: {  	[bflag:$0x3] =	sbarrier.arrive $0xFFFF  }
0x172: {  	_ =	shalt  }

</sc_bundles>
